<compile_context>
chip_gen: v7x
topology: tpu7x:2x2x1
jax: 0.10.2.dev20260603
libtpu: 0.0.44.dev20260713+nightly
codegen_flags: <defaults>
</compile_context>

<pallas_src>
import dataclasses
import functools

import jax
import jax.numpy as jnp
from jax import lax
from jax.experimental import pallas as pl
from jax.experimental.pallas import tpu as pltpu
from jax.experimental.pallas import tpu_sc as plsc

NC = 2
NS = 16
NW = NC * NS
L = 16

W = 2048


def _make_sc_kernel(n_pad, n_imgs, n_cams):
    iters = n_pad // (W * NW)
    assert iters >= 2 and iters % 2 == 0
    mesh = plsc.VectorSubcoreMesh(core_axis_name="c", subcore_axis_name="s",
                                  num_cores=NC, num_subcores=NS)
    cp = pltpu.CompilerParams()
    if "needs_layout_passes" in pltpu.CompilerParams.__dataclass_fields__:
        cp = dataclasses.replace(cp, needs_layout_passes=False)
    if "use_tc_tiling_on_sc" in pltpu.CompilerParams.__dataclass_fields__:
        cp = dataclasses.replace(cp, use_tc_tiling_on_sc=False)

    obuf = jax.ShapeDtypeStruct((n_pad,), jnp.float32)
    idx_buf = lambda: pltpu.VMEM((W,), jnp.int32)
    f_buf = lambda: pltpu.VMEM((W,), jnp.float32)

    @functools.partial(
        pl.kernel,
        out_type=(obuf, obuf),
        mesh=mesh,
        compiler_params=cp,
        scratch_types=[
            pltpu.VMEM((7 * n_imgs,), jnp.float32),
            pltpu.VMEM((3 * n_cams,), jnp.float32),
            [idx_buf(), idx_buf()],
            [idx_buf(), idx_buf()],
            [idx_buf(), idx_buf()],
            [f_buf(), f_buf()],
            [f_buf(), f_buf()],
            [f_buf(), f_buf()],
            [f_buf(), f_buf()],
            [f_buf(), f_buf()],
            [pltpu.SemaphoreType.DMA] * 2,
            [pltpu.SemaphoreType.DMA] * 2,
            [pltpu.SemaphoreType.DMA] * 2,
            [pltpu.SemaphoreType.DMA] * 2,
        ],
    )
    def sc_kernel(pidx_hbm, iidx_hbm, cidx_hbm, ext_hbm, intr_hbm,
                  ptx_hbm, pty_hbm, ptz_hbm, outx_hbm, outy_hbm,
                  ext_v, intr_v, pidx_v, iidx_v, cidx_v, px_v, py_v, pz_v,
                  ox_v, oy_v, psem, ssem, gsem, osem):
        wid = lax.axis_index("s") * NC + lax.axis_index("c")

        pltpu.sync_copy(ext_hbm, ext_v)
        pltpu.sync_copy(intr_hbm, intr_v)

        def chunk_slice(k):
            return pl.ds(pl.multiple_of((wid + k * NW) * W, W), W)

        def pidx_stage(k, b):
            return pltpu.make_async_copy(
                pidx_hbm.at[chunk_slice(k)], pidx_v[b], psem[b])

        def iidx_stage(k, b):
            return (pltpu.make_async_copy(
                        iidx_hbm.at[chunk_slice(k)], iidx_v[b], ssem[b]),
                    pltpu.make_async_copy(
                        cidx_hbm.at[chunk_slice(k)], cidx_v[b], ssem[b]))

        def gathers(b):
            ix = pidx_v[b]
            return (pltpu.make_async_copy(ptx_hbm.at[ix], px_v[b], gsem[b]),
                    pltpu.make_async_copy(pty_hbm.at[ix], py_v[b], gsem[b]),
                    pltpu.make_async_copy(ptz_hbm.at[ix], pz_v[b], gsem[b]))

        def out_write(k, b):
            return (pltpu.make_async_copy(
                        ox_v[b], outx_hbm.at[chunk_slice(k)], osem[b]),
                    pltpu.make_async_copy(
                        oy_v[b], outy_hbm.at[chunk_slice(k)], osem[b]))

        def compute(b):
            @pl.loop(0, W, step=L)
            def _(j):
                jl = pl.ds(j, L)
                ii = iidx_v[b][jl]
                ci = cidx_v[b][jl]
                px = px_v[b][jl]
                py = py_v[b][jl]
                pz = pz_v[b][jl]

                tx = plsc.load_gather(ext_v, [ii])
                ty = plsc.load_gather(ext_v, [ii + n_imgs])
                tz = plsc.load_gather(ext_v, [ii + 2 * n_imgs])
                qx = plsc.load_gather(ext_v, [ii + 3 * n_imgs])
                qy = plsc.load_gather(ext_v, [ii + 4 * n_imgs])
                qz = plsc.load_gather(ext_v, [ii + 5 * n_imgs])
                qw = plsc.load_gather(ext_v, [ii + 6 * n_imgs])

                f = plsc.load_gather(intr_v, [ci])
                k1 = plsc.load_gather(intr_v, [ci + n_cams])
                k2 = plsc.load_gather(intr_v, [ci + 2 * n_cams])

                qq = qx * qx + qy * qy + qz * qz + qw * qw
                s = 2.0 / qq
                ux = qy * pz - qz * py
                uy = qz * px - qx * pz
                uz = qx * py - qy * px
                vx = qy * uz - qz * uy
                vy = qz * ux - qx * uz
                vz = qx * uy - qy * ux
                rx = px + s * (qw * ux + vx) + tx
                ry = py + s * (qw * uy + vy) + ty
                rz = pz + s * (qw * uz + vz) + tz
                iz = 1.0 / rz
                u = rx * iz
                v = ry * iz
                nn = u * u + v * v
                r = 1.0 + nn * (k1 + k2 * nn)
                fr = f * r

                ox_v[b][jl] = u * fr
                oy_v[b][jl] = v * fr

        pidx_stage(0, 0).start()
        for c in iidx_stage(0, 0):
            c.start()
        pidx_stage(1, 1).start()
        for c in iidx_stage(1, 1):
            c.start()
        pidx_stage(0, 0).wait()
        for g in gathers(0):
            g.start()

        def sub_iter(k, b):
            nb = 1 - b

            @pl.when(k < iters - 1)
            def _():
                pidx_stage(k + 1, nb).wait()
                for g in gathers(nb):
                    g.start()

            for g in gathers(b):
                g.wait()
            for c in iidx_stage(k, b):
                c.wait()

            @pl.when(k < iters - 2)
            def _():
                pidx_stage(k + 2, b).start()

            @pl.when(k >= 2)
            def _():
                for c in out_write(k - 2, b):
                    c.wait()

            compute(b)

            for c in out_write(k, b):
                c.start()

            @pl.when(k < iters - 2)
            def _():
                for c in iidx_stage(k + 2, b):
                    c.start()

        @pl.loop(0, iters // 2)
        def _(k2):
            sub_iter(2 * k2, 0)
            sub_iter(2 * k2 + 1, 1)

        for c in out_write(iters - 2, 0):
            c.wait()
        for c in out_write(iters - 1, 1):
            c.wait()

    return sc_kernel


def kernel(points_2d, image_indices, camera_indices, point_indices,
           extrinsics, intrinsics, points_3d):
    n_obs = points_2d.shape[0]
    n_imgs = extrinsics.shape[0]
    n_cams = intrinsics.shape[0]
    span = W * NW * 2
    n_pad = -(-n_obs // span) * span
    pad = n_pad - n_obs

    def pad_idx(a):
        a = a.astype(jnp.int32)
        return jnp.concatenate([a, jnp.zeros((pad,), jnp.int32)]) if pad else a

    ext_flat = jnp.concatenate([extrinsics[:, c] for c in range(7)])
    intr_flat = jnp.concatenate([intrinsics[:, c] for c in range(3)])
    outx, outy = _make_sc_kernel(n_pad, n_imgs, n_cams)(
        pad_idx(point_indices), pad_idx(image_indices), pad_idx(camera_indices),
        ext_flat.astype(jnp.float32), intr_flat.astype(jnp.float32),
        points_3d[:, 0], points_3d[:, 1], points_3d[:, 2])
    return jnp.stack([outx[:n_obs], outy[:n_obs]], axis=-1) - points_2d

# --- scband reference (transcript-rebuilt; emitter-appended) ---
"""Pipeline reference for scband-colmap-reproj-42777874268808 (READ-ONLY COPY).

The authoritative reference and input builder live on the scoring server;
editing this copy changes nothing except your own understanding.
"""

import jax, jax.numpy as jnp
import numpy as np

N_OBS = 4000000
N_IMGS = 3000
N_CAMS = 3000
N_PTS = 1000000


def rotate_quat(points, extrinsics):
    # extrinsics: [..., 7] = [tx,ty,tz, qx,qy,qz,qw]
    t = extrinsics[..., :3]
    q = extrinsics[..., 3:7]
    q = q / jnp.linalg.norm(q, axis=-1, keepdims=True)
    qvec = q[..., :3]
    w = q[..., 3:4]
    uv = jnp.cross(qvec, points)
    uuv = jnp.cross(qvec, uv)
    rotated = points + 2.0 * (w * uv + uuv)
    return rotated + t


def colmap_project(points, extrinsics, intrinsics):
    p = rotate_quat(points, extrinsics)
    uv = p[..., :2] / p[..., 2:3]
    f = intrinsics[..., 0:1]
    k1 = intrinsics[..., 1:2]
    k2 = intrinsics[..., 2:3]
    n = jnp.sum(uv ** 2, axis=-1, keepdims=True)
    r = 1.0 + k1 * n + k2 * n ** 2
    return uv * r * f


def setup_inputs(seed: int = 0) -> dict:
    key = jax.random.key(seed)
    ks = jax.random.split(key, 12)
    points_2d = jax.random.normal(ks[0], (N_OBS, 2), dtype=jnp.float32) * 100.0
    image_indices = jax.random.randint(ks[1], (N_OBS,), 0, N_IMGS)
    camera_indices = jax.random.randint(ks[2], (N_OBS,), 0, N_CAMS)
    point_indices = jax.random.randint(ks[3], (N_OBS,), 0, N_PTS)
    # extrinsics: small rotations, translation pushing points to positive depth
    txy = jax.random.normal(ks[4], (N_IMGS, 2), dtype=jnp.float32) * 0.1
    tz = 5.0 + jax.random.uniform(ks[5], (N_IMGS, 1), dtype=jnp.float32)
    qxyz = jax.random.normal(ks[6], (N_IMGS, 3), dtype=jnp.float32) * 0.05
    qw = jnp.ones((N_IMGS, 1), dtype=jnp.float32)
    extrinsics = jnp.concatenate([txy, tz, qxyz, qw], axis=-1)
    f = 1000.0 + 100.0 * jax.random.normal(ks[7], (N_CAMS, 1), dtype=jnp.float32)
    k1 = 0.01 * jax.random.normal(ks[8], (N_CAMS, 1), dtype=jnp.float32)
    k2 = 0.001 * jax.random.normal(ks[9], (N_CAMS, 1), dtype=jnp.float32)
    intrinsics = jnp.concatenate([f, k1, k2], axis=-1)
    points_3d = jax.random.normal(ks[10], (N_PTS, 3), dtype=jnp.float32)
    return {
        "points_2d": points_2d,
        "image_indices": image_indices,
        "camera_indices": camera_indices,
        "point_indices": point_indices,
        "extrinsics": extrinsics,
        "intrinsics": intrinsics,
        "points_3d": points_3d,
    }


def reference(points_2d, image_indices, camera_indices, point_indices, extrinsics, intrinsics, points_3d):
    points_proj = colmap_project(
        points_3d[point_indices],
        extrinsics[image_indices],
        intrinsics[camera_indices],
    )
    return points_proj - points_2d

if __name__ == "__main__":
    import jax
    _d = setup_inputs()
    print(jax.jit(kernel)(*tuple(_d.values())))

</pallas_src>

<mosaic_0001>
#map = affine_map<(d0, d1) -> (0)>
module attributes {stable_mosaic.version = 14 : i64} {
  func.func @sc_kernel(%arg0: i32, %arg1: i32, %arg2: memref<4063232xi32, #tpu.memory_space<hbm>>, %arg3: memref<4063232xi32, #tpu.memory_space<hbm>>, %arg4: memref<4063232xi32, #tpu.memory_space<hbm>>, %arg5: memref<21000xf32, #tpu.memory_space<hbm>>, %arg6: memref<9000xf32, #tpu.memory_space<hbm>>, %arg7: memref<1000000xf32, #tpu.memory_space<hbm>>, %arg8: memref<1000000xf32, #tpu.memory_space<hbm>>, %arg9: memref<1000000xf32, #tpu.memory_space<hbm>>, %arg10: memref<4063232xf32, #tpu.memory_space<hbm>>, %arg11: memref<4063232xf32, #tpu.memory_space<hbm>>, %arg12: memref<21000xf32, #tpu.memory_space<vmem>>, %arg13: memref<9000xf32, #tpu.memory_space<vmem>>, %arg14: memref<2048xi32, #tpu.memory_space<vmem>>, %arg15: memref<2048xi32, #tpu.memory_space<vmem>>, %arg16: memref<2048xi32, #tpu.memory_space<vmem>>, %arg17: memref<2048xi32, #tpu.memory_space<vmem>>, %arg18: memref<2048xi32, #tpu.memory_space<vmem>>, %arg19: memref<2048xi32, #tpu.memory_space<vmem>>, %arg20: memref<2048xf32, #tpu.memory_space<vmem>>, %arg21: memref<2048xf32, #tpu.memory_space<vmem>>, %arg22: memref<2048xf32, #tpu.memory_space<vmem>>, %arg23: memref<2048xf32, #tpu.memory_space<vmem>>, %arg24: memref<2048xf32, #tpu.memory_space<vmem>>, %arg25: memref<2048xf32, #tpu.memory_space<vmem>>, %arg26: memref<2048xf32, #tpu.memory_space<vmem>>, %arg27: memref<2048xf32, #tpu.memory_space<vmem>>, %arg28: memref<2048xf32, #tpu.memory_space<vmem>>, %arg29: memref<2048xf32, #tpu.memory_space<vmem>>, %arg30: memref<!tpu.dma_semaphore, #tpu.memory_space<semaphore_mem>>, %arg31: memref<!tpu.dma_semaphore, #tpu.memory_space<semaphore_mem>>, %arg32: memref<!tpu.dma_semaphore, #tpu.memory_space<semaphore_mem>>, %arg33: memref<!tpu.dma_semaphore, #tpu.memory_space<semaphore_mem>>, %arg34: memref<!tpu.dma_semaphore, #tpu.memory_space<semaphore_mem>>, %arg35: memref<!tpu.dma_semaphore, #tpu.memory_space<semaphore_mem>>, %arg36: memref<!tpu.dma_semaphore, #tpu.memory_space<semaphore_mem>>, %arg37: memref<!tpu.dma_semaphore, #tpu.memory_space<semaphore_mem>>) attributes {dimension_semantics = [#tpu.dimension_semantics<core_parallel>, #tpu.dimension_semantics<subcore_parallel>], iteration_bounds = array<i64: 2, 16>, scalar_prefetch = 0 : i64, scratch_operands = 26 : i64, tpu.core_type = #tpu.core_type<sc_vector_subcore>, window_params = [{transform_indices = #map}, {transform_indices = #map}, {transform_indices = #map}, {transform_indices = #map}, {transform_indices = #map}, {transform_indices = #map}, {transform_indices = #map}, {transform_indices = #map}, {transform_indices = #map}, {transform_indices = #map}]} {
    %mul3A = arith.constant 2 : i32
    %mul3A_0 = arith.muli %arg1, %mul3A : i32
    %add3A = arith.addi %mul3A_0, %arg0 : i32
    "tpu.region"() ({
      %run_scoped3A = tpu.sem_alloc : memref<!tpu.dma_semaphore, #tpu.memory_space<semaphore_mem>>
      tpu.enqueue_dma source(%arg5 : memref<21000xf32, #tpu.memory_space<hbm>>) target(%arg12 : memref<21000xf32, #tpu.memory_space<vmem>>) target_semaphore(%run_scoped3A : memref<!tpu.dma_semaphore, #tpu.memory_space<semaphore_mem>>)
      tpu.wait_dma2 semaphore(%run_scoped3A : memref<!tpu.dma_semaphore, #tpu.memory_space<semaphore_mem>>) src(%arg5 : memref<21000xf32, #tpu.memory_space<hbm>>) dst(%arg12 : memref<21000xf32, #tpu.memory_space<vmem>>)
      tpu.yield
    }) : () -> ()
    "tpu.region"() ({
      %run_scoped3A = tpu.sem_alloc : memref<!tpu.dma_semaphore, #tpu.memory_space<semaphore_mem>>
      tpu.enqueue_dma source(%arg6 : memref<9000xf32, #tpu.memory_space<hbm>>) target(%arg13 : memref<9000xf32, #tpu.memory_space<vmem>>) target_semaphore(%run_scoped3A : memref<!tpu.dma_semaphore, #tpu.memory_space<semaphore_mem>>)
      tpu.wait_dma2 semaphore(%run_scoped3A : memref<!tpu.dma_semaphore, #tpu.memory_space<semaphore_mem>>) src(%arg6 : memref<9000xf32, #tpu.memory_space<hbm>>) dst(%arg13 : memref<9000xf32, #tpu.memory_space<vmem>>)
      tpu.yield
    }) : () -> ()
    %add3A_1 = arith.constant 0 : i32
    %add3A_2 = arith.addi %add3A, %add3A_1 : i32
    %mul3A_3 = arith.constant 2048 : i32
    %mul3A_4 = arith.muli %add3A_2, %mul3A_3 : i32
    %multiple_of3A = tpu.assume_multiple %mul3A_4, 2048 : i32
    %dma_start3A = tpu.memref_slice %arg2[%multiple_of3A] : memref<4063232xi32, #tpu.memory_space<hbm>> -> memref<2048xi32, #tpu.memory_space<hbm>>
    %dma_start3A_5 = tpu.memref_slice %arg2[%multiple_of3A] : memref<4063232xi32, #tpu.memory_space<hbm>> -> memref<2048xi32, #tpu.memory_space<hbm>>
    tpu.enqueue_dma source(%dma_start3A_5 : memref<2048xi32, #tpu.memory_space<hbm>>) target(%arg14 : memref<2048xi32, #tpu.memory_space<vmem>>) target_semaphore(%arg30 : memref<!tpu.dma_semaphore, #tpu.memory_space<semaphore_mem>>)
    %add3A_6 = arith.constant 0 : i32
    %add3A_7 = arith.addi %add3A, %add3A_6 : i32
    %mul3A_8 = arith.constant 2048 : i32
    %mul3A_9 = arith.muli %add3A_7, %mul3A_8 : i32
    %multiple_of3A_10 = tpu.assume_multiple %mul3A_9, 2048 : i32
    %add3A_11 = arith.constant 0 : i32
    %add3A_12 = arith.addi %add3A, %add3A_11 : i32
    %mul3A_13 = arith.constant 2048 : i32
    %mul3A_14 = arith.muli %add3A_12, %mul3A_13 : i32
    %multiple_of3A_15 = tpu.assume_multiple %mul3A_14, 2048 : i32
    %dma_start3A_16 = tpu.memref_slice %arg3[%multiple_of3A_10] : memref<4063232xi32, #tpu.memory_space<hbm>> -> memref<2048xi32, #tpu.memory_space<hbm>>
    %dma_start3A_17 = tpu.memref_slice %arg3[%multiple_of3A_10] : memref<4063232xi32, #tpu.memory_space<hbm>> -> memref<2048xi32, #tpu.memory_space<hbm>>
    tpu.enqueue_dma source(%dma_start3A_17 : memref<2048xi32, #tpu.memory_space<hbm>>) target(%arg16 : memref<2048xi32, #tpu.memory_space<vmem>>) target_semaphore(%arg32 : memref<!tpu.dma_semaphore, #tpu.memory_space<semaphore_mem>>)
    %dma_start3A_18 = tpu.memref_slice %arg4[%multiple_of3A_15] : memref<4063232xi32, #tpu.memory_space<hbm>> -> memref<2048xi32, #tpu.memory_space<hbm>>
    %dma_start3A_19 = tpu.memref_slice %arg4[%multiple_of3A_15] : memref<4063232xi32, #tpu.memory_space<hbm>> -> memref<2048xi32, #tpu.memory_space<hbm>>
    tpu.enqueue_dma source(%dma_start3A_19 : memref<2048xi32, #tpu.memory_space<hbm>>) target(%arg18 : memref<2048xi32, #tpu.memory_space<vmem>>) target_semaphore(%arg32 : memref<!tpu.dma_semaphore, #tpu.memory_space<semaphore_mem>>)
    %add3A_20 = arith.constant 32 : i32
    %add3A_21 = arith.addi %add3A, %add3A_20 : i32
    %mul3A_22 = arith.constant 2048 : i32
    %mul3A_23 = arith.muli %add3A_21, %mul3A_22 : i32
    %multiple_of3A_24 = tpu.assume_multiple %mul3A_23, 2048 : i32
    %dma_start3A_25 = tpu.memref_slice %arg2[%multiple_of3A_24] : memref<4063232xi32, #tpu.memory_space<hbm>> -> memref<2048xi32, #tpu.memory_space<hbm>>
    %dma_start3A_26 = tpu.memref_slice %arg2[%multiple_of3A_24] : memref<4063232xi32, #tpu.memory_space<hbm>> -> memref<2048xi32, #tpu.memory_space<hbm>>
    tpu.enqueue_dma source(%dma_start3A_26 : memref<2048xi32, #tpu.memory_space<hbm>>) target(%arg15 : memref<2048xi32, #tpu.memory_space<vmem>>) target_semaphore(%arg31 : memref<!tpu.dma_semaphore, #tpu.memory_space<semaphore_mem>>)
    %add3A_27 = arith.constant 32 : i32
    %add3A_28 = arith.addi %add3A, %add3A_27 : i32
    %mul3A_29 = arith.constant 2048 : i32
    %mul3A_30 = arith.muli %add3A_28, %mul3A_29 : i32
    %multiple_of3A_31 = tpu.assume_multiple %mul3A_30, 2048 : i32
    %add3A_32 = arith.constant 32 : i32
    %add3A_33 = arith.addi %add3A, %add3A_32 : i32
    %mul3A_34 = arith.constant 2048 : i32
    %mul3A_35 = arith.muli %add3A_33, %mul3A_34 : i32
    %multiple_of3A_36 = tpu.assume_multiple %mul3A_35, 2048 : i32
    %dma_start3A_37 = tpu.memref_slice %arg3[%multiple_of3A_31] : memref<4063232xi32, #tpu.memory_space<hbm>> -> memref<2048xi32, #tpu.memory_space<hbm>>
    %dma_start3A_38 = tpu.memref_slice %arg3[%multiple_of3A_31] : memref<4063232xi32, #tpu.memory_space<hbm>> -> memref<2048xi32, #tpu.memory_space<hbm>>
    tpu.enqueue_dma source(%dma_start3A_38 : memref<2048xi32, #tpu.memory_space<hbm>>) target(%arg17 : memref<2048xi32, #tpu.memory_space<vmem>>) target_semaphore(%arg33 : memref<!tpu.dma_semaphore, #tpu.memory_space<semaphore_mem>>)
    %dma_start3A_39 = tpu.memref_slice %arg4[%multiple_of3A_36] : memref<4063232xi32, #tpu.memory_space<hbm>> -> memref<2048xi32, #tpu.memory_space<hbm>>
    %dma_start3A_40 = tpu.memref_slice %arg4[%multiple_of3A_36] : memref<4063232xi32, #tpu.memory_space<hbm>> -> memref<2048xi32, #tpu.memory_space<hbm>>
    tpu.enqueue_dma source(%dma_start3A_40 : memref<2048xi32, #tpu.memory_space<hbm>>) target(%arg19 : memref<2048xi32, #tpu.memory_space<vmem>>) target_semaphore(%arg33 : memref<!tpu.dma_semaphore, #tpu.memory_space<semaphore_mem>>)
    %add3A_41 = arith.constant 0 : i32
    %add3A_42 = arith.addi %add3A, %add3A_41 : i32
    %mul3A_43 = arith.constant 2048 : i32
    %mul3A_44 = arith.muli %add3A_42, %mul3A_43 : i32
    %multiple_of3A_45 = tpu.assume_multiple %mul3A_44, 2048 : i32
    %dma_wait3A = tpu.memref_slice %arg2[%multiple_of3A_45] : memref<4063232xi32, #tpu.memory_space<hbm>> -> memref<2048xi32, #tpu.memory_space<hbm>>
    %dma_wait3A_46 = tpu.memref_slice %arg2[%multiple_of3A_45] : memref<4063232xi32, #tpu.memory_space<hbm>> -> memref<2048xi32, #tpu.memory_space<hbm>>
    tpu.wait_dma2 semaphore(%arg30 : memref<!tpu.dma_semaphore, #tpu.memory_space<semaphore_mem>>) src(%dma_wait3A_46 : memref<2048xi32, #tpu.memory_space<hbm>>) dst(%arg14 : memref<2048xi32, #tpu.memory_space<vmem>>)
    %dma_start3A_47 = arith.constant 0 : i32
    %dma_start3A_48 = tpu.memref_slice %arg7[%dma_start3A_47] : memref<1000000xf32, #tpu.memory_space<hbm>> -> memref<1000000xf32, #tpu.memory_space<hbm>>
    tpu.enqueue_indirect_dma source(%dma_start3A_48 : memref<1000000xf32, #tpu.memory_space<hbm>>) target(%arg20 : memref<2048xf32, #tpu.memory_space<vmem>>) offsets(%arg14 : memref<2048xi32, #tpu.memory_space<vmem>>) semaphore(%arg34 : memref<!tpu.dma_semaphore, #tpu.memory_space<semaphore_mem>>)
    %dma_start3A_49 = arith.constant 0 : i32
    %dma_start3A_50 = tpu.memref_slice %arg8[%dma_start3A_49] : memref<1000000xf32, #tpu.memory_space<hbm>> -> memref<1000000xf32, #tpu.memory_space<hbm>>
    tpu.enqueue_indirect_dma source(%dma_start3A_50 : memref<1000000xf32, #tpu.memory_space<hbm>>) target(%arg22 : memref<2048xf32, #tpu.memory_space<vmem>>) offsets(%arg14 : memref<2048xi32, #tpu.memory_space<vmem>>) semaphore(%arg34 : memref<!tpu.dma_semaphore, #tpu.memory_space<semaphore_mem>>)
    %dma_start3A_51 = arith.constant 0 : i32
    %dma_start3A_52 = tpu.memref_slice %arg9[%dma_start3A_51] : memref<1000000xf32, #tpu.memory_space<hbm>> -> memref<1000000xf32, #tpu.memory_space<hbm>>
    tpu.enqueue_indirect_dma source(%dma_start3A_52 : memref<1000000xf32, #tpu.memory_space<hbm>>) target(%arg24 : memref<2048xf32, #tpu.memory_space<vmem>>) offsets(%arg14 : memref<2048xi32, #tpu.memory_space<vmem>>) semaphore(%arg34 : memref<!tpu.dma_semaphore, #tpu.memory_space<semaphore_mem>>)
    %scan3A = arith.constant 0 : i32
    %scan3A_53 = arith.constant 31 : i32
    %scan3A_54 = arith.addi %scan3A, %scan3A_53 : i32
    %scan3A_55 = arith.constant 1 : i32
    scf.for %scan3A_85 = %scan3A to %scan3A_54 step %scan3A_55  : i32 {
      %mul3A_86 = arith.constant 1 : i32
      %mul3A_87 = arith.muli %scan3A_85, %mul3A_86 : i32
      %add3A_88 = arith.constant 0 : i32
      %add3A_89 = arith.addi %add3A_88, %mul3A_87 : i32
      %mul3A_90 = arith.constant 2 : i32
      %mul3A_91 = arith.muli %mul3A_90, %add3A_89 : i32
      %lt3A = arith.constant 61 : i32
      %lt3A_92 = arith.cmpi slt, %mul3A_91, %lt3A : i32
      %convert_element_type3A = arith.extui %lt3A_92 : i1 to i32
      %cond3A = arith.constant 0 : i32
      %cond3A_93 = arith.cmpi ne, %convert_element_type3A, %cond3A : i32
      scf.if %cond3A_93 {
        %add3A_218 = arith.constant 1 : i32
        %add3A_219 = arith.addi %mul3A_91, %add3A_218 : i32
        %mul3A_220 = arith.constant 32 : i32
        %mul3A_221 = arith.muli %add3A_219, %mul3A_220 : i32
        %add3A_222 = arith.addi %add3A, %mul3A_221 : i32
        %mul3A_223 = arith.constant 2048 : i32
        %mul3A_224 = arith.muli %add3A_222, %mul3A_223 : i32
        %multiple_of3A_225 = tpu.assume_multiple %mul3A_224, 2048 : i32
        %dma_wait3A_226 = tpu.memref_slice %arg2[%multiple_of3A_225] : memref<4063232xi32, #tpu.memory_space<hbm>> -> memref<2048xi32, #tpu.memory_space<hbm>>
        %dma_wait3A_227 = tpu.memref_slice %arg2[%multiple_of3A_225] : memref<4063232xi32, #tpu.memory_space<hbm>> -> memref<2048xi32, #tpu.memory_space<hbm>>
        tpu.wait_dma2 semaphore(%arg31 : memref<!tpu.dma_semaphore, #tpu.memory_space<semaphore_mem>>) src(%dma_wait3A_227 : memref<2048xi32, #tpu.memory_space<hbm>>) dst(%arg15 : memref<2048xi32, #tpu.memory_space<vmem>>)
        %dma_start3A_228 = arith.constant 0 : i32
        %dma_start3A_229 = tpu.memref_slice %arg7[%dma_start3A_228] : memref<1000000xf32, #tpu.memory_space<hbm>> -> memref<1000000xf32, #tpu.memory_space<hbm>>
        tpu.enqueue_indirect_dma source(%dma_start3A_229 : memref<1000000xf32, #tpu.memory_space<hbm>>) target(%arg21 : memref<2048xf32, #tpu.memory_space<vmem>>) offsets(%arg15 : memref<2048xi32, #tpu.memory_space<vmem>>) semaphore(%arg35 : memref<!tpu.dma_semaphore, #tpu.memory_space<semaphore_mem>>)
        %dma_start3A_230 = arith.constant 0 : i32
        %dma_start3A_231 = tpu.memref_slice %arg8[%dma_start3A_230] : memref<1000000xf32, #tpu.memory_space<hbm>> -> memref<1000000xf32, #tpu.memory_space<hbm>>
        tpu.enqueue_indirect_dma source(%dma_start3A_231 : memref<1000000xf32, #tpu.memory_space<hbm>>) target(%arg23 : memref<2048xf32, #tpu.memory_space<vmem>>) offsets(%arg15 : memref<2048xi32, #tpu.memory_space<vmem>>) semaphore(%arg35 : memref<!tpu.dma_semaphore, #tpu.memory_space<semaphore_mem>>)
        %dma_start3A_232 = arith.constant 0 : i32
        %dma_start3A_233 = tpu.memref_slice %arg9[%dma_start3A_232] : memref<1000000xf32, #tpu.memory_space<hbm>> -> memref<1000000xf32, #tpu.memory_space<hbm>>
        tpu.enqueue_indirect_dma source(%dma_start3A_233 : memref<1000000xf32, #tpu.memory_space<hbm>>) target(%arg25 : memref<2048xf32, #tpu.memory_space<vmem>>) offsets(%arg15 : memref<2048xi32, #tpu.memory_space<vmem>>) semaphore(%arg35 : memref<!tpu.dma_semaphore, #tpu.memory_space<semaphore_mem>>)
      } else {
      }
      %dma_wait3A_94 = arith.constant 0 : i32
      %dma_wait3A_95 = tpu.memref_slice %arg7[%dma_wait3A_94] : memref<1000000xf32, #tpu.memory_space<hbm>> -> memref<1000000xf32, #tpu.memory_space<hbm>>
      tpu.wait_indirect_dma semaphore(%arg34 : memref<!tpu.dma_semaphore, #tpu.memory_space<semaphore_mem>>) src(%dma_wait3A_95 : memref<1000000xf32, #tpu.memory_space<hbm>>) dst(%arg20 : memref<2048xf32, #tpu.memory_space<vmem>>)
      %dma_wait3A_96 = arith.constant 0 : i32
      %dma_wait3A_97 = tpu.memref_slice %arg8[%dma_wait3A_96] : memref<1000000xf32, #tpu.memory_space<hbm>> -> memref<1000000xf32, #tpu.memory_space<hbm>>
      tpu.wait_indirect_dma semaphore(%arg34 : memref<!tpu.dma_semaphore, #tpu.memory_space<semaphore_mem>>) src(%dma_wait3A_97 : memref<1000000xf32, #tpu.memory_space<hbm>>) dst(%arg22 : memref<2048xf32, #tpu.memory_space<vmem>>)
      %dma_wait3A_98 = arith.constant 0 : i32
      %dma_wait3A_99 = tpu.memref_slice %arg9[%dma_wait3A_98] : memref<1000000xf32, #tpu.memory_space<hbm>> -> memref<1000000xf32, #tpu.memory_space<hbm>>
      tpu.wait_indirect_dma semaphore(%arg34 : memref<!tpu.dma_semaphore, #tpu.memory_space<semaphore_mem>>) src(%dma_wait3A_99 : memref<1000000xf32, #tpu.memory_space<hbm>>) dst(%arg24 : memref<2048xf32, #tpu.memory_space<vmem>>)
      %mul3A_100 = arith.constant 32 : i32
      %mul3A_101 = arith.muli %mul3A_91, %mul3A_100 : i32
      %add3A_102 = arith.addi %add3A, %mul3A_101 : i32
      %mul3A_103 = arith.constant 2048 : i32
      %mul3A_104 = arith.muli %add3A_102, %mul3A_103 : i32
      %multiple_of3A_105 = tpu.assume_multiple %mul3A_104, 2048 : i32
      %mul3A_106 = arith.constant 32 : i32
      %mul3A_107 = arith.muli %mul3A_91, %mul3A_106 : i32
      %add3A_108 = arith.addi %add3A, %mul3A_107 : i32
      %mul3A_109 = arith.constant 2048 : i32
      %mul3A_110 = arith.muli %add3A_108, %mul3A_109 : i32
      %multiple_of3A_111 = tpu.assume_multiple %mul3A_110, 2048 : i32
      %dma_wait3A_112 = tpu.memref_slice %arg3[%multiple_of3A_105] : memref<4063232xi32, #tpu.memory_space<hbm>> -> memref<2048xi32, #tpu.memory_space<hbm>>
      %dma_wait3A_113 = tpu.memref_slice %arg3[%multiple_of3A_105] : memref<4063232xi32, #tpu.memory_space<hbm>> -> memref<2048xi32, #tpu.memory_space<hbm>>
      tpu.wait_dma2 semaphore(%arg32 : memref<!tpu.dma_semaphore, #tpu.memory_space<semaphore_mem>>) src(%dma_wait3A_113 : memref<2048xi32, #tpu.memory_space<hbm>>) dst(%arg16 : memref<2048xi32, #tpu.memory_space<vmem>>)
      %dma_wait3A_114 = tpu.memref_slice %arg4[%multiple_of3A_111] : memref<4063232xi32, #tpu.memory_space<hbm>> -> memref<2048xi32, #tpu.memory_space<hbm>>
      %dma_wait3A_115 = tpu.memref_slice %arg4[%multiple_of3A_111] : memref<4063232xi32, #tpu.memory_space<hbm>> -> memref<2048xi32, #tpu.memory_space<hbm>>
      tpu.wait_dma2 semaphore(%arg32 : memref<!tpu.dma_semaphore, #tpu.memory_space<semaphore_mem>>) src(%dma_wait3A_115 : memref<2048xi32, #tpu.memory_space<hbm>>) dst(%arg18 : memref<2048xi32, #tpu.memory_space<vmem>>)
      %lt3A_116 = arith.constant 60 : i32
      %lt3A_117 = arith.cmpi slt, %mul3A_91, %lt3A_116 : i32
      %convert_element_type3A_118 = arith.extui %lt3A_117 : i1 to i32
      %cond3A_119 = arith.constant 0 : i32
      %cond3A_120 = arith.cmpi ne, %convert_element_type3A_118, %cond3A_119 : i32
      scf.if %cond3A_120 {
        %add3A_218 = arith.constant 2 : i32
        %add3A_219 = arith.addi %mul3A_91, %add3A_218 : i32
        %mul3A_220 = arith.constant 32 : i32
        %mul3A_221 = arith.muli %add3A_219, %mul3A_220 : i32
        %add3A_222 = arith.addi %add3A, %mul3A_221 : i32
        %mul3A_223 = arith.constant 2048 : i32
        %mul3A_224 = arith.muli %add3A_222, %mul3A_223 : i32
        %multiple_of3A_225 = tpu.assume_multiple %mul3A_224, 2048 : i32
        %dma_start3A_226 = tpu.memref_slice %arg2[%multiple_of3A_225] : memref<4063232xi32, #tpu.memory_space<hbm>> -> memref<2048xi32, #tpu.memory_space<hbm>>
        %dma_start3A_227 = tpu.memref_slice %arg2[%multiple_of3A_225] : memref<4063232xi32, #tpu.memory_space<hbm>> -> memref<2048xi32, #tpu.memory_space<hbm>>
        tpu.enqueue_dma source(%dma_start3A_227 : memref<2048xi32, #tpu.memory_space<hbm>>) target(%arg14 : memref<2048xi32, #tpu.memory_space<vmem>>) target_semaphore(%arg30 : memref<!tpu.dma_semaphore, #tpu.memory_space<semaphore_mem>>)
      } else {
      }
      %ge3A = arith.constant 2 : i32
      %ge3A_121 = arith.cmpi sge, %mul3A_91, %ge3A : i32
      %convert_element_type3A_122 = arith.extui %ge3A_121 : i1 to i32
      %cond3A_123 = arith.constant 0 : i32
      %cond3A_124 = arith.cmpi ne, %convert_element_type3A_122, %cond3A_123 : i32
      scf.if %cond3A_124 {
        %sub3A = arith.constant 2 : i32
        %sub3A_218 = arith.subi %mul3A_91, %sub3A : i32
        %mul3A_219 = arith.constant 32 : i32
        %mul3A_220 = arith.muli %sub3A_218, %mul3A_219 : i32
        %add3A_221 = arith.addi %add3A, %mul3A_220 : i32
        %mul3A_222 = arith.constant 2048 : i32
        %mul3A_223 = arith.muli %add3A_221, %mul3A_222 : i32
        %multiple_of3A_224 = tpu.assume_multiple %mul3A_223, 2048 : i32
        %mul3A_225 = arith.constant 32 : i32
        %mul3A_226 = arith.muli %sub3A_218, %mul3A_225 : i32
        %add3A_227 = arith.addi %add3A, %mul3A_226 : i32
        %mul3A_228 = arith.constant 2048 : i32
        %mul3A_229 = arith.muli %add3A_227, %mul3A_228 : i32
        %multiple_of3A_230 = tpu.assume_multiple %mul3A_229, 2048 : i32
        %dma_wait3A_231 = tpu.memref_slice %arg10[%multiple_of3A_224] : memref<4063232xf32, #tpu.memory_space<hbm>> -> memref<2048xf32, #tpu.memory_space<hbm>>
        %dma_wait3A_232 = tpu.memref_slice %arg10[%multiple_of3A_224] : memref<4063232xf32, #tpu.memory_space<hbm>> -> memref<2048xf32, #tpu.memory_space<hbm>>
        tpu.wait_dma2 semaphore(%arg36 : memref<!tpu.dma_semaphore, #tpu.memory_space<semaphore_mem>>) src(%arg26 : memref<2048xf32, #tpu.memory_space<vmem>>) dst(%dma_wait3A_232 : memref<2048xf32, #tpu.memory_space<hbm>>)
        %dma_wait3A_233 = tpu.memref_slice %arg11[%multiple_of3A_230] : memref<4063232xf32, #tpu.memory_space<hbm>> -> memref<2048xf32, #tpu.memory_space<hbm>>
        %dma_wait3A_234 = tpu.memref_slice %arg11[%multiple_of3A_230] : memref<4063232xf32, #tpu.memory_space<hbm>> -> memref<2048xf32, #tpu.memory_space<hbm>>
        tpu.wait_dma2 semaphore(%arg36 : memref<!tpu.dma_semaphore, #tpu.memory_space<semaphore_mem>>) src(%arg28 : memref<2048xf32, #tpu.memory_space<vmem>>) dst(%dma_wait3A_234 : memref<2048xf32, #tpu.memory_space<hbm>>)
      } else {
      }
      %scan3A_125 = arith.constant 0 : i32
      %scan3A_126 = arith.constant 128 : i32
      %scan3A_127 = arith.addi %scan3A_125, %scan3A_126 : i32
      %scan3A_128 = arith.constant 1 : i32
      scf.for %scan3A_218 = %scan3A_125 to %scan3A_127 step %scan3A_128  : i32 {
        %mul3A_219 = arith.constant 16 : i32
        %mul3A_220 = arith.muli %scan3A_218, %mul3A_219 : i32
        %add3A_221 = arith.constant 0 : i32
        %add3A_222 = arith.addi %add3A_221, %mul3A_220 : i32
        %get3A = arith.index_cast %add3A_222 : i32 to index
        %get3A_223 = tpu.vector_load %arg16[%get3A] {strides = array<i32>} : memref<2048xi32, #tpu.memory_space<vmem>>, vector<16xi32>,
        %get3A_224 = arith.index_cast %add3A_222 : i32 to index
        %get3A_225 = tpu.vector_load %arg18[%get3A_224] {strides = array<i32>} : memref<2048xi32, #tpu.memory_space<vmem>>, vector<16xi32>,
        %get3A_226 = arith.index_cast %add3A_222 : i32 to index
        %get3A_227 = tpu.vector_load %arg20[%get3A_226] {strides = array<i32>} : memref<2048xf32, #tpu.memory_space<vmem>>, vector<16xf32>,
        %get3A_228 = arith.index_cast %add3A_222 : i32 to index
        %get3A_229 = tpu.vector_load %arg22[%get3A_228] {strides = array<i32>} : memref<2048xf32, #tpu.memory_space<vmem>>, vector<16xf32>,
        %get3A_230 = arith.index_cast %add3A_222 : i32 to index
        %get3A_231 = tpu.vector_load %arg24[%get3A_230] {strides = array<i32>} : memref<2048xf32, #tpu.memory_space<vmem>>, vector<16xf32>,
        %gather3A = tpu.vector_load_idx %arg12[%get3A_223] : memref<21000xf32, #tpu.memory_space<vmem>>[vector<16xi32>], vector<16xf32>,
        %add3A_232 = arith.constant 3000 : i32
        %add3A_233 = vector.broadcast %add3A_232 : i32 to vector<16xi32>
        %add3A_234 = arith.addi %get3A_223, %add3A_233 : vector<16xi32>
        %gather3A_235 = tpu.vector_load_idx %arg12[%add3A_234] : memref<21000xf32, #tpu.memory_space<vmem>>[vector<16xi32>], vector<16xf32>,
        %add3A_236 = arith.constant 6000 : i32
        %add3A_237 = vector.broadcast %add3A_236 : i32 to vector<16xi32>
        %add3A_238 = arith.addi %get3A_223, %add3A_237 : vector<16xi32>
        %gather3A_239 = tpu.vector_load_idx %arg12[%add3A_238] : memref<21000xf32, #tpu.memory_space<vmem>>[vector<16xi32>], vector<16xf32>,
        %add3A_240 = arith.constant 9000 : i32
        %add3A_241 = vector.broadcast %add3A_240 : i32 to vector<16xi32>
        %add3A_242 = arith.addi %get3A_223, %add3A_241 : vector<16xi32>
        %gather3A_243 = tpu.vector_load_idx %arg12[%add3A_242] : memref<21000xf32, #tpu.memory_space<vmem>>[vector<16xi32>], vector<16xf32>,
        %add3A_244 = arith.constant 12000 : i32
        %add3A_245 = vector.broadcast %add3A_244 : i32 to vector<16xi32>
        %add3A_246 = arith.addi %get3A_223, %add3A_245 : vector<16xi32>
        %gather3A_247 = tpu.vector_load_idx %arg12[%add3A_246] : memref<21000xf32, #tpu.memory_space<vmem>>[vector<16xi32>], vector<16xf32>,
        %add3A_248 = arith.constant 15000 : i32
        %add3A_249 = vector.broadcast %add3A_248 : i32 to vector<16xi32>
        %add3A_250 = arith.addi %get3A_223, %add3A_249 : vector<16xi32>
        %gather3A_251 = tpu.vector_load_idx %arg12[%add3A_250] : memref<21000xf32, #tpu.memory_space<vmem>>[vector<16xi32>], vector<16xf32>,
        %add3A_252 = arith.constant 18000 : i32
        %add3A_253 = vector.broadcast %add3A_252 : i32 to vector<16xi32>
        %add3A_254 = arith.addi %get3A_223, %add3A_253 : vector<16xi32>
        %gather3A_255 = tpu.vector_load_idx %arg12[%add3A_254] : memref<21000xf32, #tpu.memory_space<vmem>>[vector<16xi32>], vector<16xf32>,
        %gather3A_256 = tpu.vector_load_idx %arg13[%get3A_225] : memref<9000xf32, #tpu.memory_space<vmem>>[vector<16xi32>], vector<16xf32>,
        %add3A_257 = arith.constant 3000 : i32
        %add3A_258 = vector.broadcast %add3A_257 : i32 to vector<16xi32>
        %add3A_259 = arith.addi %get3A_225, %add3A_258 : vector<16xi32>
        %gather3A_260 = tpu.vector_load_idx %arg13[%add3A_259] : memref<9000xf32, #tpu.memory_space<vmem>>[vector<16xi32>], vector<16xf32>,
        %add3A_261 = arith.constant 6000 : i32
        %add3A_262 = vector.broadcast %add3A_261 : i32 to vector<16xi32>
        %add3A_263 = arith.addi %get3A_225, %add3A_262 : vector<16xi32>
        %gather3A_264 = tpu.vector_load_idx %arg13[%add3A_263] : memref<9000xf32, #tpu.memory_space<vmem>>[vector<16xi32>], vector<16xf32>,
        %mul3A_265 = arith.mulf %gather3A_243, %gather3A_243 : vector<16xf32>
        %mul3A_266 = arith.mulf %gather3A_247, %gather3A_247 : vector<16xf32>
        %add3A_267 = arith.addf %mul3A_265, %mul3A_266 : vector<16xf32>
        %mul3A_268 = arith.mulf %gather3A_251, %gather3A_251 : vector<16xf32>
        %add3A_269 = arith.addf %add3A_267, %mul3A_268 : vector<16xf32>
        %mul3A_270 = arith.mulf %gather3A_255, %gather3A_255 : vector<16xf32>
        %add3A_271 = arith.addf %add3A_269, %mul3A_270 : vector<16xf32>
        %div3A = arith.constant 2.000000e+00 : f32
        %div3A_272 = vector.broadcast %div3A : f32 to vector<16xf32>
        %div3A_273 = arith.divf %div3A_272, %add3A_271 : vector<16xf32>
        %mul3A_274 = arith.mulf %gather3A_247, %get3A_231 : vector<16xf32>
        %mul3A_275 = arith.mulf %gather3A_251, %get3A_229 : vector<16xf32>
        %sub3A = arith.subf %mul3A_274, %mul3A_275 : vector<16xf32>
        %mul3A_276 = arith.mulf %gather3A_251, %get3A_227 : vector<16xf32>
        %mul3A_277 = arith.mulf %gather3A_243, %get3A_231 : vector<16xf32>
        %sub3A_278 = arith.subf %mul3A_276, %mul3A_277 : vector<16xf32>
        %mul3A_279 = arith.mulf %gather3A_243, %get3A_229 : vector<16xf32>
        %mul3A_280 = arith.mulf %gather3A_247, %get3A_227 : vector<16xf32>
        %sub3A_281 = arith.subf %mul3A_279, %mul3A_280 : vector<16xf32>
        %mul3A_282 = arith.mulf %gather3A_247, %sub3A_281 : vector<16xf32>
        %mul3A_283 = arith.mulf %gather3A_251, %sub3A_278 : vector<16xf32>
        %sub3A_284 = arith.subf %mul3A_282, %mul3A_283 : vector<16xf32>
        %mul3A_285 = arith.mulf %gather3A_251, %sub3A : vector<16xf32>
        %mul3A_286 = arith.mulf %gather3A_243, %sub3A_281 : vector<16xf32>
        %sub3A_287 = arith.subf %mul3A_285, %mul3A_286 : vector<16xf32>
        %mul3A_288 = arith.mulf %gather3A_243, %sub3A_278 : vector<16xf32>
        %mul3A_289 = arith.mulf %gather3A_247, %sub3A : vector<16xf32>
        %sub3A_290 = arith.subf %mul3A_288, %mul3A_289 : vector<16xf32>
        %mul3A_291 = arith.mulf %gather3A_255, %sub3A : vector<16xf32>
        %add3A_292 = arith.addf %mul3A_291, %sub3A_284 : vector<16xf32>
        %mul3A_293 = arith.mulf %div3A_273, %add3A_292 : vector<16xf32>
        %add3A_294 = arith.addf %get3A_227, %mul3A_293 : vector<16xf32>
        %add3A_295 = arith.addf %add3A_294, %gather3A : vector<16xf32>
        %mul3A_296 = arith.mulf %gather3A_255, %sub3A_278 : vector<16xf32>
        %add3A_297 = arith.addf %mul3A_296, %sub3A_287 : vector<16xf32>
        %mul3A_298 = arith.mulf %div3A_273, %add3A_297 : vector<16xf32>
        %add3A_299 = arith.addf %get3A_229, %mul3A_298 : vector<16xf32>
        %add3A_300 = arith.addf %add3A_299, %gather3A_235 : vector<16xf32>
        %mul3A_301 = arith.mulf %gather3A_255, %sub3A_281 : vector<16xf32>
        %add3A_302 = arith.addf %mul3A_301, %sub3A_290 : vector<16xf32>
        %mul3A_303 = arith.mulf %div3A_273, %add3A_302 : vector<16xf32>
        %add3A_304 = arith.addf %get3A_231, %mul3A_303 : vector<16xf32>
        %add3A_305 = arith.addf %add3A_304, %gather3A_239 : vector<16xf32>
        %div3A_306 = arith.constant 1.000000e+00 : f32
        %div3A_307 = vector.broadcast %div3A_306 : f32 to vector<16xf32>
        %div3A_308 = arith.divf %div3A_307, %add3A_305 : vector<16xf32>
        %mul3A_309 = arith.mulf %add3A_295, %div3A_308 : vector<16xf32>
        %mul3A_310 = arith.mulf %add3A_300, %div3A_308 : vector<16xf32>
        %mul3A_311 = arith.mulf %mul3A_309, %mul3A_309 : vector<16xf32>
        %mul3A_312 = arith.mulf %mul3A_310, %mul3A_310 : vector<16xf32>
        %add3A_313 = arith.addf %mul3A_311, %mul3A_312 : vector<16xf32>
        %mul3A_314 = arith.mulf %gather3A_264, %add3A_313 : vector<16xf32>
        %add3A_315 = arith.addf %gather3A_260, %mul3A_314 : vector<16xf32>
        %mul3A_316 = arith.mulf %add3A_313, %add3A_315 : vector<16xf32>
        %add3A_317 = arith.constant 1.000000e+00 : f32
        %add3A_318 = vector.broadcast %add3A_317 : f32 to vector<16xf32>
        %add3A_319 = arith.addf %add3A_318, %mul3A_316 : vector<16xf32>
        %mul3A_320 = arith.mulf %gather3A_256, %add3A_319 : vector<16xf32>
        %mul3A_321 = arith.mulf %mul3A_309, %mul3A_320 : vector<16xf32>
        %swap3A = arith.index_cast %add3A_222 : i32 to index
        %swap3A_322 = tpu.vector_load %arg26[%swap3A] {strides = array<i32>} : memref<2048xf32, #tpu.memory_space<vmem>>, vector<16xf32>,
        tpu.vector_store %arg26[%swap3A], %mul3A_321 {strides = array<i32>} : memref<2048xf32, #tpu.memory_space<vmem>>, vector<16xf32>,
        %mul3A_323 = arith.mulf %mul3A_310, %mul3A_320 : vector<16xf32>
        %swap3A_324 = arith.index_cast %add3A_222 : i32 to index
        %swap3A_325 = tpu.vector_load %arg28[%swap3A_324] {strides = array<i32>} : memref<2048xf32, #tpu.memory_space<vmem>>, vector<16xf32>,
        tpu.vector_store %arg28[%swap3A_324], %mul3A_323 {strides = array<i32>} : memref<2048xf32, #tpu.memory_space<vmem>>, vector<16xf32>,
      }
      %scan3A_129 = arith.constant 128 : i32
      %mul3A_130 = arith.constant 32 : i32
      %mul3A_131 = arith.muli %mul3A_91, %mul3A_130 : i32
      %add3A_132 = arith.addi %add3A, %mul3A_131 : i32
      %mul3A_133 = arith.constant 2048 : i32
      %mul3A_134 = arith.muli %add3A_132, %mul3A_133 : i32
      %multiple_of3A_135 = tpu.assume_multiple %mul3A_134, 2048 : i32
      %mul3A_136 = arith.constant 32 : i32
      %mul3A_137 = arith.muli %mul3A_91, %mul3A_136 : i32
      %add3A_138 = arith.addi %add3A, %mul3A_137 : i32
      %mul3A_139 = arith.constant 2048 : i32
      %mul3A_140 = arith.muli %add3A_138, %mul3A_139 : i32
      %multiple_of3A_141 = tpu.assume_multiple %mul3A_140, 2048 : i32
      %dma_start3A_142 = tpu.memref_slice %arg10[%multiple_of3A_135] : memref<4063232xf32, #tpu.memory_space<hbm>> -> memref<2048xf32, #tpu.memory_space<hbm>>
      %dma_start3A_143 = tpu.memref_slice %arg10[%multiple_of3A_135] : memref<4063232xf32, #tpu.memory_space<hbm>> -> memref<2048xf32, #tpu.memory_space<hbm>>
      tpu.enqueue_dma source(%arg26 : memref<2048xf32, #tpu.memory_space<vmem>>) target(%dma_start3A_143 : memref<2048xf32, #tpu.memory_space<hbm>>) target_semaphore(%arg36 : memref<!tpu.dma_semaphore, #tpu.memory_space<semaphore_mem>>)
      %dma_start3A_144 = tpu.memref_slice %arg11[%multiple_of3A_141] : memref<4063232xf32, #tpu.memory_space<hbm>> -> memref<2048xf32, #tpu.memory_space<hbm>>
      %dma_start3A_145 = tpu.memref_slice %arg11[%multiple_of3A_141] : memref<4063232xf32, #tpu.memory_space<hbm>> -> memref<2048xf32, #tpu.memory_space<hbm>>
      tpu.enqueue_dma source(%arg28 : memref<2048xf32, #tpu.memory_space<vmem>>) target(%dma_start3A_145 : memref<2048xf32, #tpu.memory_space<hbm>>) target_semaphore(%arg36 : memref<!tpu.dma_semaphore, #tpu.memory_space<semaphore_mem>>)
      %lt3A_146 = arith.constant 60 : i32
      %lt3A_147 = arith.cmpi slt, %mul3A_91, %lt3A_146 : i32
      %convert_element_type3A_148 = arith.extui %lt3A_147 : i1 to i32
      %cond3A_149 = arith.constant 0 : i32
      %cond3A_150 = arith.cmpi ne, %convert_element_type3A_148, %cond3A_149 : i32
      scf.if %cond3A_150 {
        %add3A_218 = arith.constant 2 : i32
        %add3A_219 = arith.addi %mul3A_91, %add3A_218 : i32
        %mul3A_220 = arith.constant 32 : i32
        %mul3A_221 = arith.muli %add3A_219, %mul3A_220 : i32
        %add3A_222 = arith.addi %add3A, %mul3A_221 : i32
        %mul3A_223 = arith.constant 2048 : i32
        %mul3A_224 = arith.muli %add3A_222, %mul3A_223 : i32
        %multiple_of3A_225 = tpu.assume_multiple %mul3A_224, 2048 : i32
        %mul3A_226 = arith.constant 32 : i32
        %mul3A_227 = arith.muli %add3A_219, %mul3A_226 : i32
        %add3A_228 = arith.addi %add3A, %mul3A_227 : i32
        %mul3A_229 = arith.constant 2048 : i32
        %mul3A_230 = arith.muli %add3A_228, %mul3A_229 : i32
        %multiple_of3A_231 = tpu.assume_multiple %mul3A_230, 2048 : i32
        %dma_start3A_232 = tpu.memref_slice %arg3[%multiple_of3A_225] : memref<4063232xi32, #tpu.memory_space<hbm>> -> memref<2048xi32, #tpu.memory_space<hbm>>
        %dma_start3A_233 = tpu.memref_slice %arg3[%multiple_of3A_225] : memref<4063232xi32, #tpu.memory_space<hbm>> -> memref<2048xi32, #tpu.memory_space<hbm>>
        tpu.enqueue_dma source(%dma_start3A_233 : memref<2048xi32, #tpu.memory_space<hbm>>) target(%arg16 : memref<2048xi32, #tpu.memory_space<vmem>>) target_semaphore(%arg32 : memref<!tpu.dma_semaphore, #tpu.memory_space<semaphore_mem>>)
        %dma_start3A_234 = tpu.memref_slice %arg4[%multiple_of3A_231] : memref<4063232xi32, #tpu.memory_space<hbm>> -> memref<2048xi32, #tpu.memory_space<hbm>>
        %dma_start3A_235 = tpu.memref_slice %arg4[%multiple_of3A_231] : memref<4063232xi32, #tpu.memory_space<hbm>> -> memref<2048xi32, #tpu.memory_space<hbm>>
        tpu.enqueue_dma source(%dma_start3A_235 : memref<2048xi32, #tpu.memory_space<hbm>>) target(%arg18 : memref<2048xi32, #tpu.memory_space<vmem>>) target_semaphore(%arg32 : memref<!tpu.dma_semaphore, #tpu.memory_space<semaphore_mem>>)
      } else {
      }
      %mul3A_151 = arith.constant 2 : i32
      %mul3A_152 = arith.muli %mul3A_151, %add3A_89 : i32
      %add3A_153 = arith.constant 1 : i32
      %add3A_154 = arith.addi %mul3A_152, %add3A_153 : i32
      %lt3A_155 = arith.constant 61 : i32
      %lt3A_156 = arith.cmpi slt, %add3A_154, %lt3A_155 : i32
      %convert_element_type3A_157 = arith.extui %lt3A_156 : i1 to i32
      %cond3A_158 = arith.constant 0 : i32
      %cond3A_159 = arith.cmpi ne, %convert_element_type3A_157, %cond3A_158 : i32
      scf.if %cond3A_159 {
        %add3A_218 = arith.constant 1 : i32
        %add3A_219 = arith.addi %add3A_154, %add3A_218 : i32
        %mul3A_220 = arith.constant 32 : i32
        %mul3A_221 = arith.muli %add3A_219, %mul3A_220 : i32
        %add3A_222 = arith.addi %add3A, %mul3A_221 : i32
        %mul3A_223 = arith.constant 2048 : i32
        %mul3A_224 = arith.muli %add3A_222, %mul3A_223 : i32
        %multiple_of3A_225 = tpu.assume_multiple %mul3A_224, 2048 : i32
        %dma_wait3A_226 = tpu.memref_slice %arg2[%multiple_of3A_225] : memref<4063232xi32, #tpu.memory_space<hbm>> -> memref<2048xi32, #tpu.memory_space<hbm>>
        %dma_wait3A_227 = tpu.memref_slice %arg2[%multiple_of3A_225] : memref<4063232xi32, #tpu.memory_space<hbm>> -> memref<2048xi32, #tpu.memory_space<hbm>>
        tpu.wait_dma2 semaphore(%arg30 : memref<!tpu.dma_semaphore, #tpu.memory_space<semaphore_mem>>) src(%dma_wait3A_227 : memref<2048xi32, #tpu.memory_space<hbm>>) dst(%arg14 : memref<2048xi32, #tpu.memory_space<vmem>>)
        %dma_start3A_228 = arith.constant 0 : i32
        %dma_start3A_229 = tpu.memref_slice %arg7[%dma_start3A_228] : memref<1000000xf32, #tpu.memory_space<hbm>> -> memref<1000000xf32, #tpu.memory_space<hbm>>
        tpu.enqueue_indirect_dma source(%dma_start3A_229 : memref<1000000xf32, #tpu.memory_space<hbm>>) target(%arg20 : memref<2048xf32, #tpu.memory_space<vmem>>) offsets(%arg14 : memref<2048xi32, #tpu.memory_space<vmem>>) semaphore(%arg34 : memref<!tpu.dma_semaphore, #tpu.memory_space<semaphore_mem>>)
        %dma_start3A_230 = arith.constant 0 : i32
        %dma_start3A_231 = tpu.memref_slice %arg8[%dma_start3A_230] : memref<1000000xf32, #tpu.memory_space<hbm>> -> memref<1000000xf32, #tpu.memory_space<hbm>>
        tpu.enqueue_indirect_dma source(%dma_start3A_231 : memref<1000000xf32, #tpu.memory_space<hbm>>) target(%arg22 : memref<2048xf32, #tpu.memory_space<vmem>>) offsets(%arg14 : memref<2048xi32, #tpu.memory_space<vmem>>) semaphore(%arg34 : memref<!tpu.dma_semaphore, #tpu.memory_space<semaphore_mem>>)
        %dma_start3A_232 = arith.constant 0 : i32
        %dma_start3A_233 = tpu.memref_slice %arg9[%dma_start3A_232] : memref<1000000xf32, #tpu.memory_space<hbm>> -> memref<1000000xf32, #tpu.memory_space<hbm>>
        tpu.enqueue_indirect_dma source(%dma_start3A_233 : memref<1000000xf32, #tpu.memory_space<hbm>>) target(%arg24 : memref<2048xf32, #tpu.memory_space<vmem>>) offsets(%arg14 : memref<2048xi32, #tpu.memory_space<vmem>>) semaphore(%arg34 : memref<!tpu.dma_semaphore, #tpu.memory_space<semaphore_mem>>)
      } else {
      }
      %dma_wait3A_160 = arith.constant 0 : i32
      %dma_wait3A_161 = tpu.memref_slice %arg7[%dma_wait3A_160] : memref<1000000xf32, #tpu.memory_space<hbm>> -> memref<1000000xf32, #tpu.memory_space<hbm>>
      tpu.wait_indirect_dma semaphore(%arg35 : memref<!tpu.dma_semaphore, #tpu.memory_space<semaphore_mem>>) src(%dma_wait3A_161 : memref<1000000xf32, #tpu.memory_space<hbm>>) dst(%arg21 : memref<2048xf32, #tpu.memory_space<vmem>>)
      %dma_wait3A_162 = arith.constant 0 : i32
      %dma_wait3A_163 = tpu.memref_slice %arg8[%dma_wait3A_162] : memref<1000000xf32, #tpu.memory_space<hbm>> -> memref<1000000xf32, #tpu.memory_space<hbm>>
      tpu.wait_indirect_dma semaphore(%arg35 : memref<!tpu.dma_semaphore, #tpu.memory_space<semaphore_mem>>) src(%dma_wait3A_163 : memref<1000000xf32, #tpu.memory_space<hbm>>) dst(%arg23 : memref<2048xf32, #tpu.memory_space<vmem>>)
      %dma_wait3A_164 = arith.constant 0 : i32
      %dma_wait3A_165 = tpu.memref_slice %arg9[%dma_wait3A_164] : memref<1000000xf32, #tpu.memory_space<hbm>> -> memref<1000000xf32, #tpu.memory_space<hbm>>
      tpu.wait_indirect_dma semaphore(%arg35 : memref<!tpu.dma_semaphore, #tpu.memory_space<semaphore_mem>>) src(%dma_wait3A_165 : memref<1000000xf32, #tpu.memory_space<hbm>>) dst(%arg25 : memref<2048xf32, #tpu.memory_space<vmem>>)
      %mul3A_166 = arith.constant 32 : i32
      %mul3A_167 = arith.muli %add3A_154, %mul3A_166 : i32
      %add3A_168 = arith.addi %add3A, %mul3A_167 : i32
      %mul3A_169 = arith.constant 2048 : i32
      %mul3A_170 = arith.muli %add3A_168, %mul3A_169 : i32
      %multiple_of3A_171 = tpu.assume_multiple %mul3A_170, 2048 : i32
      %mul3A_172 = arith.constant 32 : i32
      %mul3A_173 = arith.muli %add3A_154, %mul3A_172 : i32
      %add3A_174 = arith.addi %add3A, %mul3A_173 : i32
      %mul3A_175 = arith.constant 2048 : i32
      %mul3A_176 = arith.muli %add3A_174, %mul3A_175 : i32
      %multiple_of3A_177 = tpu.assume_multiple %mul3A_176, 2048 : i32
      %dma_wait3A_178 = tpu.memref_slice %arg3[%multiple_of3A_171] : memref<4063232xi32, #tpu.memory_space<hbm>> -> memref<2048xi32, #tpu.memory_space<hbm>>
      %dma_wait3A_179 = tpu.memref_slice %arg3[%multiple_of3A_171] : memref<4063232xi32, #tpu.memory_space<hbm>> -> memref<2048xi32, #tpu.memory_space<hbm>>
      tpu.wait_dma2 semaphore(%arg33 : memref<!tpu.dma_semaphore, #tpu.memory_space<semaphore_mem>>) src(%dma_wait3A_179 : memref<2048xi32, #tpu.memory_space<hbm>>) dst(%arg17 : memref<2048xi32, #tpu.memory_space<vmem>>)
      %dma_wait3A_180 = tpu.memref_slice %arg4[%multiple_of3A_177] : memref<4063232xi32, #tpu.memory_space<hbm>> -> memref<2048xi32, #tpu.memory_space<hbm>>
      %dma_wait3A_181 = tpu.memref_slice %arg4[%multiple_of3A_177] : memref<4063232xi32, #tpu.memory_space<hbm>> -> memref<2048xi32, #tpu.memory_space<hbm>>
      tpu.wait_dma2 semaphore(%arg33 : memref<!tpu.dma_semaphore, #tpu.memory_space<semaphore_mem>>) src(%dma_wait3A_181 : memref<2048xi32, #tpu.memory_space<hbm>>) dst(%arg19 : memref<2048xi32, #tpu.memory_space<vmem>>)
      %lt3A_182 = arith.constant 60 : i32
      %lt3A_183 = arith.cmpi slt, %add3A_154, %lt3A_182 : i32
      %convert_element_type3A_184 = arith.extui %lt3A_183 : i1 to i32
      %cond3A_185 = arith.constant 0 : i32
      %cond3A_186 = arith.cmpi ne, %convert_element_type3A_184, %cond3A_185 : i32
      scf.if %cond3A_186 {
        %add3A_218 = arith.constant 2 : i32
        %add3A_219 = arith.addi %add3A_154, %add3A_218 : i32
        %mul3A_220 = arith.constant 32 : i32
        %mul3A_221 = arith.muli %add3A_219, %mul3A_220 : i32
        %add3A_222 = arith.addi %add3A, %mul3A_221 : i32
        %mul3A_223 = arith.constant 2048 : i32
        %mul3A_224 = arith.muli %add3A_222, %mul3A_223 : i32
        %multiple_of3A_225 = tpu.assume_multiple %mul3A_224, 2048 : i32
        %dma_start3A_226 = tpu.memref_slice %arg2[%multiple_of3A_225] : memref<4063232xi32, #tpu.memory_space<hbm>> -> memref<2048xi32, #tpu.memory_space<hbm>>
        %dma_start3A_227 = tpu.memref_slice %arg2[%multiple_of3A_225] : memref<4063232xi32, #tpu.memory_space<hbm>> -> memref<2048xi32, #tpu.memory_space<hbm>>
        tpu.enqueue_dma source(%dma_start3A_227 : memref<2048xi32, #tpu.memory_space<hbm>>) target(%arg15 : memref<2048xi32, #tpu.memory_space<vmem>>) target_semaphore(%arg31 : memref<!tpu.dma_semaphore, #tpu.memory_space<semaphore_mem>>)
      } else {
      }
      %ge3A_187 = arith.constant 2 : i32
      %ge3A_188 = arith.cmpi sge, %add3A_154, %ge3A_187 : i32
      %convert_element_type3A_189 = arith.extui %ge3A_188 : i1 to i32
      %cond3A_190 = arith.constant 0 : i32
      %cond3A_191 = arith.cmpi ne, %convert_element_type3A_189, %cond3A_190 : i32
      scf.if %cond3A_191 {
        %sub3A = arith.constant 2 : i32
        %sub3A_218 = arith.subi %add3A_154, %sub3A : i32
        %mul3A_219 = arith.constant 32 : i32
        %mul3A_220 = arith.muli %sub3A_218, %mul3A_219 : i32
        %add3A_221 = arith.addi %add3A, %mul3A_220 : i32
        %mul3A_222 = arith.constant 2048 : i32
        %mul3A_223 = arith.muli %add3A_221, %mul3A_222 : i32
        %multiple_of3A_224 = tpu.assume_multiple %mul3A_223, 2048 : i32
        %mul3A_225 = arith.constant 32 : i32
        %mul3A_226 = arith.muli %sub3A_218, %mul3A_225 : i32
        %add3A_227 = arith.addi %add3A, %mul3A_226 : i32
        %mul3A_228 = arith.constant 2048 : i32
        %mul3A_229 = arith.muli %add3A_227, %mul3A_228 : i32
        %multiple_of3A_230 = tpu.assume_multiple %mul3A_229, 2048 : i32
        %dma_wait3A_231 = tpu.memref_slice %arg10[%multiple_of3A_224] : memref<4063232xf32, #tpu.memory_space<hbm>> -> memref<2048xf32, #tpu.memory_space<hbm>>
        %dma_wait3A_232 = tpu.memref_slice %arg10[%multiple_of3A_224] : memref<4063232xf32, #tpu.memory_space<hbm>> -> memref<2048xf32, #tpu.memory_space<hbm>>
        tpu.wait_dma2 semaphore(%arg37 : memref<!tpu.dma_semaphore, #tpu.memory_space<semaphore_mem>>) src(%arg27 : memref<2048xf32, #tpu.memory_space<vmem>>) dst(%dma_wait3A_232 : memref<2048xf32, #tpu.memory_space<hbm>>)
        %dma_wait3A_233 = tpu.memref_slice %arg11[%multiple_of3A_230] : memref<4063232xf32, #tpu.memory_space<hbm>> -> memref<2048xf32, #tpu.memory_space<hbm>>
        %dma_wait3A_234 = tpu.memref_slice %arg11[%multiple_of3A_230] : memref<4063232xf32, #tpu.memory_space<hbm>> -> memref<2048xf32, #tpu.memory_space<hbm>>
        tpu.wait_dma2 semaphore(%arg37 : memref<!tpu.dma_semaphore, #tpu.memory_space<semaphore_mem>>) src(%arg29 : memref<2048xf32, #tpu.memory_space<vmem>>) dst(%dma_wait3A_234 : memref<2048xf32, #tpu.memory_space<hbm>>)
      } else {
      }
      %scan3A_192 = arith.constant 0 : i32
      %scan3A_193 = arith.constant 128 : i32
      %scan3A_194 = arith.addi %scan3A_192, %scan3A_193 : i32
      %scan3A_195 = arith.constant 1 : i32
      scf.for %scan3A_218 = %scan3A_192 to %scan3A_194 step %scan3A_195  : i32 {
        %mul3A_219 = arith.constant 16 : i32
        %mul3A_220 = arith.muli %scan3A_218, %mul3A_219 : i32
        %add3A_221 = arith.constant 0 : i32
        %add3A_222 = arith.addi %add3A_221, %mul3A_220 : i32
        %get3A = arith.index_cast %add3A_222 : i32 to index
        %get3A_223 = tpu.vector_load %arg17[%get3A] {strides = array<i32>} : memref<2048xi32, #tpu.memory_space<vmem>>, vector<16xi32>,
        %get3A_224 = arith.index_cast %add3A_222 : i32 to index
        %get3A_225 = tpu.vector_load %arg19[%get3A_224] {strides = array<i32>} : memref<2048xi32, #tpu.memory_space<vmem>>, vector<16xi32>,
        %get3A_226 = arith.index_cast %add3A_222 : i32 to index
        %get3A_227 = tpu.vector_load %arg21[%get3A_226] {strides = array<i32>} : memref<2048xf32, #tpu.memory_space<vmem>>, vector<16xf32>,
        %get3A_228 = arith.index_cast %add3A_222 : i32 to index
        %get3A_229 = tpu.vector_load %arg23[%get3A_228] {strides = array<i32>} : memref<2048xf32, #tpu.memory_space<vmem>>, vector<16xf32>,
        %get3A_230 = arith.index_cast %add3A_222 : i32 to index
        %get3A_231 = tpu.vector_load %arg25[%get3A_230] {strides = array<i32>} : memref<2048xf32, #tpu.memory_space<vmem>>, vector<16xf32>,
        %gather3A = tpu.vector_load_idx %arg12[%get3A_223] : memref<21000xf32, #tpu.memory_space<vmem>>[vector<16xi32>], vector<16xf32>,
        %add3A_232 = arith.constant 3000 : i32
        %add3A_233 = vector.broadcast %add3A_232 : i32 to vector<16xi32>
        %add3A_234 = arith.addi %get3A_223, %add3A_233 : vector<16xi32>
        %gather3A_235 = tpu.vector_load_idx %arg12[%add3A_234] : memref<21000xf32, #tpu.memory_space<vmem>>[vector<16xi32>], vector<16xf32>,
        %add3A_236 = arith.constant 6000 : i32
        %add3A_237 = vector.broadcast %add3A_236 : i32 to vector<16xi32>
        %add3A_238 = arith.addi %get3A_223, %add3A_237 : vector<16xi32>
        %gather3A_239 = tpu.vector_load_idx %arg12[%add3A_238] : memref<21000xf32, #tpu.memory_space<vmem>>[vector<16xi32>], vector<16xf32>,
        %add3A_240 = arith.constant 9000 : i32
        %add3A_241 = vector.broadcast %add3A_240 : i32 to vector<16xi32>
        %add3A_242 = arith.addi %get3A_223, %add3A_241 : vector<16xi32>
        %gather3A_243 = tpu.vector_load_idx %arg12[%add3A_242] : memref<21000xf32, #tpu.memory_space<vmem>>[vector<16xi32>], vector<16xf32>,
        %add3A_244 = arith.constant 12000 : i32
        %add3A_245 = vector.broadcast %add3A_244 : i32 to vector<16xi32>
        %add3A_246 = arith.addi %get3A_223, %add3A_245 : vector<16xi32>
        %gather3A_247 = tpu.vector_load_idx %arg12[%add3A_246] : memref<21000xf32, #tpu.memory_space<vmem>>[vector<16xi32>], vector<16xf32>,
        %add3A_248 = arith.constant 15000 : i32
        %add3A_249 = vector.broadcast %add3A_248 : i32 to vector<16xi32>
        %add3A_250 = arith.addi %get3A_223, %add3A_249 : vector<16xi32>
        %gather3A_251 = tpu.vector_load_idx %arg12[%add3A_250] : memref<21000xf32, #tpu.memory_space<vmem>>[vector<16xi32>], vector<16xf32>,
        %add3A_252 = arith.constant 18000 : i32
        %add3A_253 = vector.broadcast %add3A_252 : i32 to vector<16xi32>
        %add3A_254 = arith.addi %get3A_223, %add3A_253 : vector<16xi32>
        %gather3A_255 = tpu.vector_load_idx %arg12[%add3A_254] : memref<21000xf32, #tpu.memory_space<vmem>>[vector<16xi32>], vector<16xf32>,
        %gather3A_256 = tpu.vector_load_idx %arg13[%get3A_225] : memref<9000xf32, #tpu.memory_space<vmem>>[vector<16xi32>], vector<16xf32>,
        %add3A_257 = arith.constant 3000 : i32
        %add3A_258 = vector.broadcast %add3A_257 : i32 to vector<16xi32>
        %add3A_259 = arith.addi %get3A_225, %add3A_258 : vector<16xi32>
        %gather3A_260 = tpu.vector_load_idx %arg13[%add3A_259] : memref<9000xf32, #tpu.memory_space<vmem>>[vector<16xi32>], vector<16xf32>,
        %add3A_261 = arith.constant 6000 : i32
        %add3A_262 = vector.broadcast %add3A_261 : i32 to vector<16xi32>
        %add3A_263 = arith.addi %get3A_225, %add3A_262 : vector<16xi32>
        %gather3A_264 = tpu.vector_load_idx %arg13[%add3A_263] : memref<9000xf32, #tpu.memory_space<vmem>>[vector<16xi32>], vector<16xf32>,
        %mul3A_265 = arith.mulf %gather3A_243, %gather3A_243 : vector<16xf32>
        %mul3A_266 = arith.mulf %gather3A_247, %gather3A_247 : vector<16xf32>
        %add3A_267 = arith.addf %mul3A_265, %mul3A_266 : vector<16xf32>
        %mul3A_268 = arith.mulf %gather3A_251, %gather3A_251 : vector<16xf32>
        %add3A_269 = arith.addf %add3A_267, %mul3A_268 : vector<16xf32>
        %mul3A_270 = arith.mulf %gather3A_255, %gather3A_255 : vector<16xf32>
        %add3A_271 = arith.addf %add3A_269, %mul3A_270 : vector<16xf32>
        %div3A = arith.constant 2.000000e+00 : f32
        %div3A_272 = vector.broadcast %div3A : f32 to vector<16xf32>
        %div3A_273 = arith.divf %div3A_272, %add3A_271 : vector<16xf32>
        %mul3A_274 = arith.mulf %gather3A_247, %get3A_231 : vector<16xf32>
        %mul3A_275 = arith.mulf %gather3A_251, %get3A_229 : vector<16xf32>
        %sub3A = arith.subf %mul3A_274, %mul3A_275 : vector<16xf32>
        %mul3A_276 = arith.mulf %gather3A_251, %get3A_227 : vector<16xf32>
        %mul3A_277 = arith.mulf %gather3A_243, %get3A_231 : vector<16xf32>
        %sub3A_278 = arith.subf %mul3A_276, %mul3A_277 : vector<16xf32>
        %mul3A_279 = arith.mulf %gather3A_243, %get3A_229 : vector<16xf32>
        %mul3A_280 = arith.mulf %gather3A_247, %get3A_227 : vector<16xf32>
        %sub3A_281 = arith.subf %mul3A_279, %mul3A_280 : vector<16xf32>
        %mul3A_282 = arith.mulf %gather3A_247, %sub3A_281 : vector<16xf32>
        %mul3A_283 = arith.mulf %gather3A_251, %sub3A_278 : vector<16xf32>
        %sub3A_284 = arith.subf %mul3A_282, %mul3A_283 : vector<16xf32>
        %mul3A_285 = arith.mulf %gather3A_251, %sub3A : vector<16xf32>
        %mul3A_286 = arith.mulf %gather3A_243, %sub3A_281 : vector<16xf32>
        %sub3A_287 = arith.subf %mul3A_285, %mul3A_286 : vector<16xf32>
        %mul3A_288 = arith.mulf %gather3A_243, %sub3A_278 : vector<16xf32>
        %mul3A_289 = arith.mulf %gather3A_247, %sub3A : vector<16xf32>
        %sub3A_290 = arith.subf %mul3A_288, %mul3A_289 : vector<16xf32>
        %mul3A_291 = arith.mulf %gather3A_255, %sub3A : vector<16xf32>
        %add3A_292 = arith.addf %mul3A_291, %sub3A_284 : vector<16xf32>
        %mul3A_293 = arith.mulf %div3A_273, %add3A_292 : vector<16xf32>
        %add3A_294 = arith.addf %get3A_227, %mul3A_293 : vector<16xf32>
        %add3A_295 = arith.addf %add3A_294, %gather3A : vector<16xf32>
        %mul3A_296 = arith.mulf %gather3A_255, %sub3A_278 : vector<16xf32>
        %add3A_297 = arith.addf %mul3A_296, %sub3A_287 : vector<16xf32>
        %mul3A_298 = arith.mulf %div3A_273, %add3A_297 : vector<16xf32>
        %add3A_299 = arith.addf %get3A_229, %mul3A_298 : vector<16xf32>
        %add3A_300 = arith.addf %add3A_299, %gather3A_235 : vector<16xf32>
        %mul3A_301 = arith.mulf %gather3A_255, %sub3A_281 : vector<16xf32>
        %add3A_302 = arith.addf %mul3A_301, %sub3A_290 : vector<16xf32>
        %mul3A_303 = arith.mulf %div3A_273, %add3A_302 : vector<16xf32>
        %add3A_304 = arith.addf %get3A_231, %mul3A_303 : vector<16xf32>
        %add3A_305 = arith.addf %add3A_304, %gather3A_239 : vector<16xf32>
        %div3A_306 = arith.constant 1.000000e+00 : f32
        %div3A_307 = vector.broadcast %div3A_306 : f32 to vector<16xf32>
        %div3A_308 = arith.divf %div3A_307, %add3A_305 : vector<16xf32>
        %mul3A_309 = arith.mulf %add3A_295, %div3A_308 : vector<16xf32>
        %mul3A_310 = arith.mulf %add3A_300, %div3A_308 : vector<16xf32>
        %mul3A_311 = arith.mulf %mul3A_309, %mul3A_309 : vector<16xf32>
        %mul3A_312 = arith.mulf %mul3A_310, %mul3A_310 : vector<16xf32>
        %add3A_313 = arith.addf %mul3A_311, %mul3A_312 : vector<16xf32>
        %mul3A_314 = arith.mulf %gather3A_264, %add3A_313 : vector<16xf32>
        %add3A_315 = arith.addf %gather3A_260, %mul3A_314 : vector<16xf32>
        %mul3A_316 = arith.mulf %add3A_313, %add3A_315 : vector<16xf32>
        %add3A_317 = arith.constant 1.000000e+00 : f32
        %add3A_318 = vector.broadcast %add3A_317 : f32 to vector<16xf32>
        %add3A_319 = arith.addf %add3A_318, %mul3A_316 : vector<16xf32>
        %mul3A_320 = arith.mulf %gather3A_256, %add3A_319 : vector<16xf32>
        %mul3A_321 = arith.mulf %mul3A_309, %mul3A_320 : vector<16xf32>
        %swap3A = arith.index_cast %add3A_222 : i32 to index
        %swap3A_322 = tpu.vector_load %arg27[%swap3A] {strides = array<i32>} : memref<2048xf32, #tpu.memory_space<vmem>>, vector<16xf32>,
        tpu.vector_store %arg27[%swap3A], %mul3A_321 {strides = array<i32>} : memref<2048xf32, #tpu.memory_space<vmem>>, vector<16xf32>,
        %mul3A_323 = arith.mulf %mul3A_310, %mul3A_320 : vector<16xf32>
        %swap3A_324 = arith.index_cast %add3A_222 : i32 to index
        %swap3A_325 = tpu.vector_load %arg29[%swap3A_324] {strides = array<i32>} : memref<2048xf32, #tpu.memory_space<vmem>>, vector<16xf32>,
        tpu.vector_store %arg29[%swap3A_324], %mul3A_323 {strides = array<i32>} : memref<2048xf32, #tpu.memory_space<vmem>>, vector<16xf32>,
      }
      %scan3A_196 = arith.constant 128 : i32
      %mul3A_197 = arith.constant 32 : i32
      %mul3A_198 = arith.muli %add3A_154, %mul3A_197 : i32
      %add3A_199 = arith.addi %add3A, %mul3A_198 : i32
      %mul3A_200 = arith.constant 2048 : i32
      %mul3A_201 = arith.muli %add3A_199, %mul3A_200 : i32
      %multiple_of3A_202 = tpu.assume_multiple %mul3A_201, 2048 : i32
      %mul3A_203 = arith.constant 32 : i32
      %mul3A_204 = arith.muli %add3A_154, %mul3A_203 : i32
      %add3A_205 = arith.addi %add3A, %mul3A_204 : i32
      %mul3A_206 = arith.constant 2048 : i32
      %mul3A_207 = arith.muli %add3A_205, %mul3A_206 : i32
      %multiple_of3A_208 = tpu.assume_multiple %mul3A_207, 2048 : i32
      %dma_start3A_209 = tpu.memref_slice %arg10[%multiple_of3A_202] : memref<4063232xf32, #tpu.memory_space<hbm>> -> memref<2048xf32, #tpu.memory_space<hbm>>
      %dma_start3A_210 = tpu.memref_slice %arg10[%multiple_of3A_202] : memref<4063232xf32, #tpu.memory_space<hbm>> -> memref<2048xf32, #tpu.memory_space<hbm>>
      tpu.enqueue_dma source(%arg27 : memref<2048xf32, #tpu.memory_space<vmem>>) target(%dma_start3A_210 : memref<2048xf32, #tpu.memory_space<hbm>>) target_semaphore(%arg37 : memref<!tpu.dma_semaphore, #tpu.memory_space<semaphore_mem>>)
      %dma_start3A_211 = tpu.memref_slice %arg11[%multiple_of3A_208] : memref<4063232xf32, #tpu.memory_space<hbm>> -> memref<2048xf32, #tpu.memory_space<hbm>>
      %dma_start3A_212 = tpu.memref_slice %arg11[%multiple_of3A_208] : memref<4063232xf32, #tpu.memory_space<hbm>> -> memref<2048xf32, #tpu.memory_space<hbm>>
      tpu.enqueue_dma source(%arg29 : memref<2048xf32, #tpu.memory_space<vmem>>) target(%dma_start3A_212 : memref<2048xf32, #tpu.memory_space<hbm>>) target_semaphore(%arg37 : memref<!tpu.dma_semaphore, #tpu.memory_space<semaphore_mem>>)
      %lt3A_213 = arith.constant 60 : i32
      %lt3A_214 = arith.cmpi slt, %add3A_154, %lt3A_213 : i32
      %convert_element_type3A_215 = arith.extui %lt3A_214 : i1 to i32
      %cond3A_216 = arith.constant 0 : i32
      %cond3A_217 = arith.cmpi ne, %convert_element_type3A_215, %cond3A_216 : i32
      scf.if %cond3A_217 {
        %add3A_218 = arith.constant 2 : i32
        %add3A_219 = arith.addi %add3A_154, %add3A_218 : i32
        %mul3A_220 = arith.constant 32 : i32
        %mul3A_221 = arith.muli %add3A_219, %mul3A_220 : i32
        %add3A_222 = arith.addi %add3A, %mul3A_221 : i32
        %mul3A_223 = arith.constant 2048 : i32
        %mul3A_224 = arith.muli %add3A_222, %mul3A_223 : i32
        %multiple_of3A_225 = tpu.assume_multiple %mul3A_224, 2048 : i32
        %mul3A_226 = arith.constant 32 : i32
        %mul3A_227 = arith.muli %add3A_219, %mul3A_226 : i32
        %add3A_228 = arith.addi %add3A, %mul3A_227 : i32
        %mul3A_229 = arith.constant 2048 : i32
        %mul3A_230 = arith.muli %add3A_228, %mul3A_229 : i32
        %multiple_of3A_231 = tpu.assume_multiple %mul3A_230, 2048 : i32
        %dma_start3A_232 = tpu.memref_slice %arg3[%multiple_of3A_225] : memref<4063232xi32, #tpu.memory_space<hbm>> -> memref<2048xi32, #tpu.memory_space<hbm>>
        %dma_start3A_233 = tpu.memref_slice %arg3[%multiple_of3A_225] : memref<4063232xi32, #tpu.memory_space<hbm>> -> memref<2048xi32, #tpu.memory_space<hbm>>
        tpu.enqueue_dma source(%dma_start3A_233 : memref<2048xi32, #tpu.memory_space<hbm>>) target(%arg17 : memref<2048xi32, #tpu.memory_space<vmem>>) target_semaphore(%arg33 : memref<!tpu.dma_semaphore, #tpu.memory_space<semaphore_mem>>)
        %dma_start3A_234 = tpu.memref_slice %arg4[%multiple_of3A_231] : memref<4063232xi32, #tpu.memory_space<hbm>> -> memref<2048xi32, #tpu.memory_space<hbm>>
        %dma_start3A_235 = tpu.memref_slice %arg4[%multiple_of3A_231] : memref<4063232xi32, #tpu.memory_space<hbm>> -> memref<2048xi32, #tpu.memory_space<hbm>>
        tpu.enqueue_dma source(%dma_start3A_235 : memref<2048xi32, #tpu.memory_space<hbm>>) target(%arg19 : memref<2048xi32, #tpu.memory_space<vmem>>) target_semaphore(%arg33 : memref<!tpu.dma_semaphore, #tpu.memory_space<semaphore_mem>>)
      } else {
      }
    }
    %scan3A_56 = arith.constant 31 : i32
    %add3A_57 = arith.constant 1920 : i32
    %add3A_58 = arith.addi %add3A, %add3A_57 : i32
    %mul3A_59 = arith.constant 2048 : i32
    %mul3A_60 = arith.muli %add3A_58, %mul3A_59 : i32
    %multiple_of3A_61 = tpu.assume_multiple %mul3A_60, 2048 : i32
    %add3A_62 = arith.constant 1920 : i32
    %add3A_63 = arith.addi %add3A, %add3A_62 : i32
    %mul3A_64 = arith.constant 2048 : i32
    %mul3A_65 = arith.muli %add3A_63, %mul3A_64 : i32
    %multiple_of3A_66 = tpu.assume_multiple %mul3A_65, 2048 : i32
    %dma_wait3A_67 = tpu.memref_slice %arg10[%multiple_of3A_61] : memref<4063232xf32, #tpu.memory_space<hbm>> -> memref<2048xf32, #tpu.memory_space<hbm>>
    %dma_wait3A_68 = tpu.memref_slice %arg10[%multiple_of3A_61] : memref<4063232xf32, #tpu.memory_space<hbm>> -> memref<2048xf32, #tpu.memory_space<hbm>>
    tpu.wait_dma2 semaphore(%arg36 : memref<!tpu.dma_semaphore, #tpu.memory_space<semaphore_mem>>) src(%arg26 : memref<2048xf32, #tpu.memory_space<vmem>>) dst(%dma_wait3A_68 : memref<2048xf32, #tpu.memory_space<hbm>>)
    %dma_wait3A_69 = tpu.memref_slice %arg11[%multiple_of3A_66] : memref<4063232xf32, #tpu.memory_space<hbm>> -> memref<2048xf32, #tpu.memory_space<hbm>>
    %dma_wait3A_70 = tpu.memref_slice %arg11[%multiple_of3A_66] : memref<4063232xf32, #tpu.memory_space<hbm>> -> memref<2048xf32, #tpu.memory_space<hbm>>
    tpu.wait_dma2 semaphore(%arg36 : memref<!tpu.dma_semaphore, #tpu.memory_space<semaphore_mem>>) src(%arg28 : memref<2048xf32, #tpu.memory_space<vmem>>) dst(%dma_wait3A_70 : memref<2048xf32, #tpu.memory_space<hbm>>)
    %add3A_71 = arith.constant 1952 : i32
    %add3A_72 = arith.addi %add3A, %add3A_71 : i32
    %mul3A_73 = arith.constant 2048 : i32
    %mul3A_74 = arith.muli %add3A_72, %mul3A_73 : i32
    %multiple_of3A_75 = tpu.assume_multiple %mul3A_74, 2048 : i32
    %add3A_76 = arith.constant 1952 : i32
    %add3A_77 = arith.addi %add3A, %add3A_76 : i32
    %mul3A_78 = arith.constant 2048 : i32
    %mul3A_79 = arith.muli %add3A_77, %mul3A_78 : i32
    %multiple_of3A_80 = tpu.assume_multiple %mul3A_79, 2048 : i32
    %dma_wait3A_81 = tpu.memref_slice %arg10[%multiple_of3A_75] : memref<4063232xf32, #tpu.memory_space<hbm>> -> memref<2048xf32, #tpu.memory_space<hbm>>
    %dma_wait3A_82 = tpu.memref_slice %arg10[%multiple_of3A_75] : memref<4063232xf32, #tpu.memory_space<hbm>> -> memref<2048xf32, #tpu.memory_space<hbm>>
    tpu.wait_dma2 semaphore(%arg37 : memref<!tpu.dma_semaphore, #tpu.memory_space<semaphore_mem>>) src(%arg27 : memref<2048xf32, #tpu.memory_space<vmem>>) dst(%dma_wait3A_82 : memref<2048xf32, #tpu.memory_space<hbm>>)
    %dma_wait3A_83 = tpu.memref_slice %arg11[%multiple_of3A_80] : memref<4063232xf32, #tpu.memory_space<hbm>> -> memref<2048xf32, #tpu.memory_space<hbm>>
    %dma_wait3A_84 = tpu.memref_slice %arg11[%multiple_of3A_80] : memref<4063232xf32, #tpu.memory_space<hbm>> -> memref<2048xf32, #tpu.memory_space<hbm>>
    tpu.wait_dma2 semaphore(%arg37 : memref<!tpu.dma_semaphore, #tpu.memory_space<semaphore_mem>>) src(%arg29 : memref<2048xf32, #tpu.memory_space<vmem>>) dst(%dma_wait3A_84 : memref<2048xf32, #tpu.memory_space<hbm>>)
    return
  }
}

</mosaic_0001>

<sc_bundles>
// kernel: kernel.3.cloned.1.call-start
scs
__scs_entry_jumppad:
0x0: {  	(pc) =	sbr.rel $0x88, $3  }
0x1: {  	(tag) =	ssettag $0x0;
	lr =	simm.s32 $0x1  }
0x2: {  	[smem:$0x3F9A] =	sst lr;
	_ =	strace $0xD0000000  }
0x3: {  	_ = 	snop  }
0x4: {  	_ = 	snop  }
0x5: {  	_ = 	snop  }
0x6: {  	_ = 	snop  }
0x7: {  	_ = 	snop  }
__scs_overlays_trampoline_lowered:
0x8: {  	[smem:$0x3FA9] =	sst s0  }
0x9: {  	[smem:$0x3FAA] =	sst s1  }
0xa: {  	[smem:$0x3FAB] =	sst s2  }
0xb: {  	[smem:$0x3FAC] =	sst s3  }
0xc: {  	[smem:$0x3FAD] =	sst s4  }
0xd: {  	[smem:$0x3FAE] =	sst s5  }
0xe: {  	[smem:$0x3FAF] =	sst s6  }
0xf: {  	[smem:$0x3FB0] =	sst s7  }
0x10: {  	[smem:$0x3FB1] =	sst s8  }
0x11: {  	[smem:$0x3FB2] =	sst s9;
	s0 =	simm.s32 @!p0 $0x0  }
0x12: {  	s1 =	sld [smem:$0x3F98];
	s0 =	simm.s32 @p0 $0x1  }
0x13: {  	[smem:$0x3FB3] =	sst s0;
	s0 =	simm.s32 @!p1 $0x0  }
0x14: {  	s2 =	sld [smem:$0x3F97];
	s0 =	simm.s32 @p1 $0x1  }
0x15: {  	[smem:$0x3FB4] =	sst s0;
	s0 =	simm.s32 @!p2 $0x0  }
0x16: {  	s3 =	sld [smem:$0x3FDB];
	s0 =	simm.s32 @p2 $0x1  }
0x17: {  	s4 =	simm.s32 $0x1BF5;
	[smem:$0x3FB6] =	sst s0  }
0x18: {  	s0 =	sld [smem:$0x3F99];
	_ =	swait.ge [sflag:s4], $0x0  }
0x19: {  	s7 =	sld [smem:$0x3F9A]  }
0x1a: {  	s8 =	sadd.s32 $0xFFFFE003, lr  }
0x1b: {  	s9 =	sadd.s32 $0xFFFFFEF7, lr;
	s5 =	simm.s32 $0xFFFFFFFF;
	p2 =	slt.u32 s8, $0xFFFFF086  }
0x1c: {  	p1 =	slt.u32 s9, $0xF7A;
	s5 =	simm.s32 @!p2 $0x0  }
0x1d: {  	s5 =	simm.s32 @p1 $0x1;
	p0 =	seq.s32 s7, s2  }
0x1e: {  	s7 =	smul.u32 @!p0 $0xF7A, s2;
	p2 =	seq.s32 @!p0 s5, $0x0  }
0x1f: {  	s9 =	smul.u32 $0xF7A, s1;
	s8 =	simm.s32 @!p0 $0x1BF5;
	p2 =	por !p2, p0  }
0x20: {  	[sflag:s8] =	ssyncset.s32 @!p0 $0xFFFFF086;
	s6 =	sadd.s32 @!p0 s3, s7;
	s7 =	simm.s32 @!p0 $0x108  }
0x21: {  	s3 =	sadd.s32 s3, s9;
	s6 =	sadd.s32 @!p0 $0x88, s6;
	s7 =	simm.s32 @p2 $0x1082  }
0x22: {  	[simem:s7], [sflag:s8] =	dma.local @!p0 [hbm:s6], $0xF7A  }
0x23: {  	s9 =	sor.u32 $0xD0000000, s2;
	s6 =	simm.s32 $0x108;
	_ =	swait.ge @!p0 [sflag:s8], $0x0  }
0x24: {  	s3 =	sadd.s32 $0x88, s3;
	s6 =	simm.s32 @!p1 $0x1082;
	[sflag:s4] =	ssyncset.s32 $0xFFFFF086  }
0x25: {  	[simem:s6], [sflag:s4] =	dma.local [hbm:s3], $0xF7A  }
0x26: {  	[smem:$0x3F9A] =	sst s1;
	(tag) =	ssettag s2;
	_ =	strace s9  }
0x27: {  	s1 =	sld [smem:$0x3FAA]  }
0x28: {  	s2 =	sld [smem:$0x3FAB]  }
0x29: {  	s4 =	sld [smem:$0x3FAD]  }
0x2a: {  	p0 =	seq.s32 s5, $0x0;
	s5 =	sld [smem:$0x3FAE]  }
0x2b: {  	s6 =	sld [smem:$0x3FAF]  }
0x2c: {  	s7 =	sld [smem:$0x3FB0]  }
0x2d: {  	s3 =	simm.s32 $0x108;
	s8 =	sld [smem:$0x3FB1]  }
0x2e: {  	s3 =	simm.s32 @!p0 $0x1082;
	s9 =	sld [smem:$0x3FB2]  }
0x2f: {  	lr =	sadd.s32 s0, s3;
	s0 =	sld [smem:$0x3FA9]  }
0x30: {  	s3 =	sld [smem:$0x3FAC]  }
0x31: {  	[smem:$0x3FB5] =	sst s10  }
0x32: {  	s10 =	sld [smem:$0x3FB3];
	_ =	sdelay $0x3  }
0x33: {  	p0 =	seq.s32 s10, $0x1;
	s10 =	sld [smem:$0x3FB5];
	_ =	sdelay $0x3  }
0x34: {  	[smem:$0x3FB5] =	sst s10  }
0x35: {  	s10 =	sld [smem:$0x3FB4];
	_ =	sdelay $0x3  }
0x36: {  	p1 =	seq.s32 s10, $0x1;
	s10 =	sld [smem:$0x3FB5];
	_ =	sdelay $0x3  }
0x37: {  	[smem:$0x3FB5] =	sst s10  }
0x38: {  	s10 =	sld [smem:$0x3FB6]  }
0x39: {  	_ = 	snop;
	(pc) =	sbr.ind lr, $3  }
0x3a: {  	_ = 	snop  }
0x3b: {  	_ = 	snop  }
0x3c: {  	p2 =	seq.s32 s10, $0x1;
	s10 =	sld [smem:$0x3FB5]  }
0x3d: {  	_ =	shalt  }
0x3e: {  	_ =	shalt  }
0x3f: {  	_ =	shalt  }
0x40: {  	_ =	shalt  }
0x41: {  	_ =	shalt  }
0x42: {  	_ =	shalt  }
0x43: {  	_ =	shalt  }
0x44: {  	_ =	shalt  }
0x45: {  	_ =	shalt  }
0x46: {  	_ =	shalt  }
0x47: {  	_ =	shalt  }
0x48: {  	_ =	shalt  }
0x49: {  	_ =	shalt  }
0x4a: {  	_ =	shalt  }
0x4b: {  	_ =	shalt  }
0x4c: {  	_ =	shalt  }
0x4d: {  	_ =	shalt  }
0x4e: {  	_ =	shalt  }
0x4f: {  	_ =	shalt  }
0x50: {  	_ =	shalt  }
0x51: {  	_ =	shalt  }
0x52: {  	_ =	shalt  }
0x53: {  	_ =	shalt  }
0x54: {  	_ =	shalt  }
0x55: {  	_ =	shalt  }
0x56: {  	_ =	shalt  }
0x57: {  	_ =	shalt  }
0x58: {  	_ =	shalt  }
0x59: {  	_ =	shalt  }
0x5a: {  	_ =	shalt  }
0x5b: {  	_ =	shalt  }
0x5c: {  	_ =	shalt  }
0x5d: {  	_ =	shalt  }
0x5e: {  	_ =	shalt  }
0x5f: {  	_ =	shalt  }
0x60: {  	_ =	shalt  }
0x61: {  	_ =	shalt  }
0x62: {  	_ =	shalt  }
0x63: {  	_ =	shalt  }
0x64: {  	_ =	shalt  }
0x65: {  	_ =	shalt  }
0x66: {  	_ =	shalt  }
0x67: {  	_ =	shalt  }
0x68: {  	_ =	shalt  }
0x69: {  	_ =	shalt  }
0x6a: {  	_ =	shalt  }
0x6b: {  	_ =	shalt  }
0x6c: {  	_ =	shalt  }
0x6d: {  	_ =	shalt  }
0x6e: {  	_ =	shalt  }
0x6f: {  	_ =	shalt  }
0x70: {  	_ =	shalt  }
0x71: {  	_ =	shalt  }
0x72: {  	_ =	shalt  }
0x73: {  	_ =	shalt  }
0x74: {  	_ =	shalt  }
0x75: {  	_ =	shalt  }
0x76: {  	_ =	shalt  }
0x77: {  	_ =	shalt  }
0x78: {  	_ =	shalt  }
0x79: {  	_ =	shalt  }
0x7a: {  	_ =	shalt  }
0x7b: {  	_ =	shalt  }
0x7c: {  	_ =	shalt  }
0x7d: {  	_ =	shalt  }
0x7e: {  	_ =	shalt  }
0x7f: {  	_ =	shalt  }
0x80: {  	_ =	shalt  }
0x81: {  	_ =	shalt  }
0x82: {  	_ =	shalt  }
0x83: {  	_ =	shalt  }
0x84: {  	_ =	shalt  }
0x85: {  	_ =	shalt  }
0x86: {  	_ =	shalt  }
0x87: {  	_ =	shalt  }
.Lfunc_end0:
.L_simem_size_0:
called_computation_lowered:
.L_overlay_start_0:
0x88: {  	s2 =	sld [smem:$0x3FD9]  }
0x89: {  	s3 =	sld [smem:$0x3FFE];
	_ =	sdelay $0x1  }
0x8a: {  	s1 =	srdreg.scid  }
0x8b: {  	s0 =	sand.u32 $0x1, s1  }
0x8c: {  	s17 =	sshll.u32 s0, $0xA;
	s2 =	sadd.s32 s3, s2  }
0x8d: {  	s2 =	sadd.s32 s2, s17  }
0x8e: {  	[smem:$0x3FC1] =	sst s2  }
0x8f: {  	_ = 	snop  }
0x90: {  	s2 =	sld [smem:$0x3FD0];
	(tm) =	ssettm $0x1  }
0x91: {  	s18 =	sld [smem:$0x3FFB];
	_ =	sdelay $0x3  }
0x92: {  	_ =	strace s18  }
0x93: {  	s3 =	sld [smem:$0x3FFC];
	_ =	sdelay $0x3  }
0x94: {  	_ =	strace s3  }
0x95: {  	s3 =	sld [smem:$0x3FFD];
	_ =	sdelay $0x3  }
0x96: {  	_ =	strace s3  }
0x97: {  	_ =	strace $0x8FFFFFFF  }
0x98: {  	s19 =	sld [smem:$0x3FDB];
	_ =	sdelay $0x1  }
0x99: {  	s4 =	simm.s32 $_scs_section_size  }
0x9a: {  	s5 =	simm.s32 $_size__tile_overlayer_lowered;
	s6 =	simm.s32 $_tile_overlayer_lowered  }
0x9b: {  	s22 =	simm.s32 $0x1BFF;
	s21 =	sshll.u32 s6, $0x1;
	s3 =	sadd.s32 s4, s19  }
0x9c: {  	s7 =	simm.s32 $0x0;
	s20 =	sshll.u32 s5, $0x1;
	s5 =	sadd.s32 s21, s3  }
0x9d: {  	[timem:s7], [sflag:s22] =	dma.local [hbm:s5], s20  }
0x9e: {  	_ =	swait.ge [sflag:s22], s20  }
0x9f: {  	s4 =	ssub.s32 $0x0, s20;
	[sflag:s22] =	ssyncset.done $0x0  }
0xa0: {  	[sflag:s22] =	ssyncadd.s32 s4;
	_ =	sdelay $0x1  }
0xa1: {  	s23 =	simm.s32 $0x1B8B  }
0xa2: {  	_ =	swait.ge [sflag:s23], $0x1  }
0xa3: {  	[sflag:s23] =	ssyncset.done $0x0  }
0xa4: {  	s25 =	simm.s32 $0x1B8E;
	s24 =	sld [smem:$0x3FFE];
	[sflag:s23] =	ssyncadd.s32 $0xFFFFFFFF  }
0xa5: {  	s26 =	simm.s32 $execute0_lowered;
	[smem:$0x3FD2] =	sst s25  }
0xa6: {  	s5 =	sshll.u32 s26, $0x1;
	_ =	strace $0x80000046;
	[dreg:$0x1] =	wrdreg $0xFFFFFFFF  }
0xa7: {  	s28 =	simm.s32 $_size_execute0_lowered;
	s3 =	sadd.s32 s3, s5;
	[dreg:$0x0] =	wrdreg $0x0  }
0xa8: {  	s5 =	sshll.u32 s28, $0x1;
	[dreg:$0x2] =	wrdreg s3  }
0xa9: {  	[dreg:$0x3] =	wrdreg s5  }
0xaa: {  	[dreg:$0x4] =	wrdreg $0xC0  }
0xab: {  	_ =	task [dreg:s7], $0x5FFFF  }
0xac: {  	[dreg:$0x1] =	wrdreg $0xFFFFFFFF  }
0xad: {  	[dreg:$0x0] =	wrdreg $0x60  }
0xae: {  	[dreg:$0x2] =	wrdreg s2  }
0xaf: {  	[dreg:$0x3] =	wrdreg s24  }
0xb0: {  	[dreg:$0x4] =	wrdreg $0x9  }
0xb1: {  	_ =	task.clear_ibuf [dreg:s7], $0x5FFFF;
	_ =	strace $0x90000046  }
0xb2: {  	s29 =	simm.s32 $0x9;
	_ =	strace $0x80000048  }
0xb3: {  	_ =	swait.ge [sflag:s29], $0x1  }
0xb4: {  	[sflag:s29] =	ssyncadd.s32 $0xFFFFFFFF  }
0xb5: {  	_ =	strace $0x90000048  }
0xb6: {  	_ =	sfence  }
0xb7: {  	s30 =	sld [smem:$0x0];
	_ =	sdelay $0x2  }
0xb8: {  	s31 =	sshll.u32 s1, $0xD;
	s1 =	sshrl.u32 s1, $0x2  }
0xb9: {  	s3 =	sand.u32 $0x4000, s31;
	s1 =	sadd.s32 s1, s30  }
0xba: {  	s0 =	sor.u32 s3, s0;
	s1 =	sshll.u32 s1, $0x11  }
0xbb: {  	s0 =	sor.u32 s1, s0  }
0xbc: {  	s0 =	sadd.s32 $0x8F2B, s0  }
0xbd: {  	[sflag:s0] =	ssyncadd.remote.s32 $0x1  }
0xbe: {  	_ =	sfence.sel $0xFFFF  }
0xbf: {  	[dreg:$0x0] =	wrdreg $0xFFFFFFFF;
	(pc) =	sbr.abs _section_cstart, $3  }
0xc0: {  	[dreg:$0x1] =	wrdreg $0xFFFFFFFF  }
0xc1: {  	_ =	task.clear_ibuf [dreg:s7], $0x2FFFF;
	_ =	strace $0x9FFFFFFF  }
0xc2: {  	(tm) =	ssettm $0x7FFFFFFF  }
0xc3: {  	_ =	shalt  }
tec
execute0_lowered:
.L_overlay_start_1:
0x0: {  	(tag) =	ssettag $0x1  }
0x1: {  	s0 =	rddreg [dreg:$0x0]  }
0x2: {  	s4 =	rddreg [dreg:$0x1];
	s1 =	simm.s32 $0x0  }
0x3: {  	s21 =	srdreg.scid;
	s10 =	stileid.u32;
	s30 =	simm.s32 $0x7D30  }
0x4: {  	s28 =	simm.s32 $0x800;
	s29 =	simm.s32 $0x2;
	s14 =	simm.s32 $0x5  }
0x5: {  	s15 =	simm.s32 $0x3;
	s18 =	simm.s32 $0x6;
	s19 =	simm.s32 $0x4  }
0x6: {  	[smem:$0x7FF] =	sst s1;
	s2 =	sadd.s32 $0x5CE00, s4;
	s5 =	sadd.s32 $0x155400, s4  }
0x7: {  	s3 =	sadd.s32 $0xD8E00, s4;
	s20 =	sadd.s32 $0x154E00, s4;
	s7 =	sadd.s32 $0x3E400, s4  }
0x8: {  	s8 =	sadd.s32 $0x1FA00, s4;
	s9 =	sadd.s32 $0x1000, s4;
	s11 =	sshll.u32 s10, $0x9  }
0x9: {  	_ =	strace $0x80000047;
	[dreg:$0x3] =	wrdreg s5;
	s5 =	sand.u32 $0x1, s21  }
0xa: {  	s10 =	sadd.s32 $0x156000, s4;
	s6 =	ssub.s32 $0x2, s5;
	s5 =	sshll.u32 s5, $0x8  }
0xb: {  	s12 =	sadd.s32 $0x1D2000, s4;
	s13 =	sshrl.u32 s6, $0x1;
	s11 =	sor.u32 s5, s11  }
0xc: {  	[dreg:$0x4] =	wrdreg s20;
	s22 =	ssub.s32 s6, s13;
	s5 =	sadd.s32 s0, s11  }
0xd: {  	s23 =	sadd.s32 s2, s11;
	s24 =	sadd.s32 s3, s11;
	[dreg:$0x5] =	wrdreg s5  }
0xe: {  	s25 =	sor.u32 $0x2000, s11;
	s20 =	sor.u32 $0x4000, s11;
	[dreg:$0x6] =	wrdreg s23  }
0xf: {  	s21 =	sor.u32 $0x6000, s11;
	s6 =	simm.s32 $0xDD30;
	[dreg:$0x7] =	wrdreg s24  }
.Ltmp0:
0x10: {  	s26 =	sadd.s32 s0, s25;
	s31 =	sadd.s32 s2, s25;
	(pc) =	sbr.rel .LBB2_1-.Ltmp0, $4  }
0x11: {  	s5 =	sadd.s32 s3, s25;
	s4 =	smax.u32 s22, $0x1;
	[dreg:$0x8] =	wrdreg s26  }
0x12: {  	s22 =	sadd.s32 s0, s20;
	s23 =	sadd.s32 s0, s21;
	[dreg:$0x9] =	wrdreg s31  }
0x13: {  	s25 =	simm.s32 $0x5208;
	s24 =	simm.s32 $0x7;
	[dreg:$0xa] =	wrdreg s5  }
0x14: {  	[dreg:$0xb] =	wrdreg s4;
	s26 =	simm.s32 $0xED30;
	s5 =	simm.s32 $0x0  }
.LBB2_11:
0x15: {  	_ =	swait.ge [sflag:s24], $0x800  }
0x16: {  	[sflag:s24] =	ssyncset.done $0x0  }
0x17: {  	[sflag:s24] =	ssyncadd.s32 $0xFFFFF800  }
0x18: {  	_ =	swait.ge [sflag:s24], $0x800  }
0x19: {  	[sflag:s24] =	ssyncset.done $0x0  }
0x1a: {  	s4 =	simm.s32 $0x8;
	[sflag:s24] =	ssyncadd.s32 $0xFFFFF800  }
0x1b: {  	_ =	swait.ge [sflag:s4], $0x800  }
0x1c: {  	[sflag:s4] =	ssyncset.done $0x0  }
0x1d: {  	[sflag:s4] =	ssyncadd.s32 $0xFFFFF800  }
0x1e: {  	_ =	swait.ge [sflag:s4], $0x800  }
0x1f: {  	s5 =	rddreg [dreg:$0xc]  }
0x20: {  	s0 =	rddreg [dreg:$0xb];
	s5 =	sadd.s32 $0x1, s5  }
0x21: {  	p0 =	sne.s32 s5, s0  }
.Ltmp1:
0x22: {  	_ = 	snop;
	(pc) =	sbr.rel @!p0 .LBB2_12-.Ltmp1, $3  }
0x23: {  	_ =	sdelay $0x1  }
0x24: {  	[sflag:s4] =	ssyncset.done $0x0  }
0x25: {  	[sflag:s4] =	ssyncadd.s32 $0xFFFFF800  }
.LBB2_1:
0x26: {  	[dreg:$0xc] =	wrdreg s5  }
0x27: {  	s0 =	rddreg [dreg:$0x3];
	s4 =	simm.s32 $0x9  }
0x28: {  	[tilespmem:s1], [sflag:$0x9] =	stream.linear.gather [hbm4b:s0+s1], $0x5208, $0x38;
	[tilespmem:$0xF530] =	vst v63  }
0x29: {  	_ =	swait.ge [sflag:s4], $0x5208  }
0x2a: {  	[sflag:s4] =	ssyncset.done $0x0  }
0x2b: {  	s5 =	rddreg [dreg:$0x4];
	[sflag:s4] =	ssyncadd.s32 $0xFFFFADF8  }
0x2c: {  	[tilespmem:s25], [sflag:$0x9] =	stream.linear.gather [hbm4b:s5+s1], $0x2328, $0x38;
	[tilespmem:$0xF530] =	vst v63  }
0x2d: {  	_ =	swait.ge [sflag:s4], $0x2328  }
0x2e: {  	[sflag:s4] =	ssyncset.done $0x0  }
0x2f: {  	s13 =	rddreg [dreg:$0x5];
	[sflag:s4] =	ssyncadd.s32 $0xFFFFDCD8;
	s4 =	simm.s32 $0x7530  }
0x30: {  	[tilespmem:s4], [sflag:$0x1] =	stream.linear.gather [hbm4b:s13+s1], $0x800, $0x38;
	[tilespmem:$0xF530] =	vst v63  }
0x31: {  	s17 =	simm.s32 $0x8530;
	s16 =	rddreg [dreg:$0x6]  }
0x32: {  	[tilespmem:s17], [sflag:$0x3] =	stream.linear.gather [hbm4b:s16+s1], $0x800, $0x38;
	[tilespmem:$0xF530] =	vst v63  }
0x33: {  	s13 =	rddreg [dreg:$0x7];
	s16 =	simm.s32 $0x9530  }
0x34: {  	[tilespmem:s16], [sflag:$0x3] =	stream.linear.gather [hbm4b:s13+s1], $0x800, $0x38;
	[tilespmem:$0xF530] =	vst v63  }
0x35: {  	s17 =	rddreg [dreg:$0x8]  }
0x36: {  	[tilespmem:s30], [sflag:$0x2] =	stream.linear.gather [hbm4b:s17+s1], $0x800, $0x38;
	[tilespmem:$0xF530] =	vst v63  }
0x37: {  	s5 =	rddreg [dreg:$0x9];
	s13 =	simm.s32 $0x8D30  }
0x38: {  	[tilespmem:s13], [sflag:$0x4] =	stream.linear.gather [hbm4b:s5+s1], $0x800, $0x38;
	[tilespmem:$0xF530] =	vst v63  }
0x39: {  	s16 =	rddreg [dreg:$0xa];
	s17 =	simm.s32 $0x9D30;
	s5 =	simm.s32 $0x1  }
0x3a: {  	[tilespmem:s17], [sflag:$0x4] =	stream.linear.gather [hbm4b:s16+s1], $0x800, $0x38;
	[tilespmem:$0xF530] =	vst v63  }
0x3b: {  	_ =	swait.ge [sflag:s5], $0x800  }
0x3c: {  	[sflag:s5] =	ssyncset.done $0x0  }
0x3d: {  	s13 =	simm.s32 $0xA530;
	[sflag:s5] =	ssyncadd.s32 $0xFFFFF800  }
0x3e: {  	[tilespmem:s13], [sflag:$0x5] =	stream.indirect.gather [hbm4b:s7+s28], $0x1, s4, s28, $0xb8;
	[tilespmem:$0xF530] =	vst v63  }
0x3f: {  	s16 =	simm.s32 $0xB530  }
0x40: {  	[tilespmem:s16], [sflag:$0x5] =	stream.indirect.gather [hbm4b:s8+s28], $0x1, s4, s28, $0xb8;
	[tilespmem:$0xF530] =	vst v63  }
0x41: {  	s31 =	simm.s32 $0x0;
	s17 =	simm.s32 $0xC530  }
0x42: {  	[tilespmem:s17], [sflag:$0x5] =	stream.indirect.gather [hbm4b:s9+s28], $0x1, s4, s28, $0xb8;
	[tilespmem:$0xF530] =	vst v63  }
.LBB2_2:
0x43: {  	_ =	swait.ge [sflag:s29], $0x800  }
0x44: {  	[sflag:s29] =	ssyncset.done $0x0  }
0x45: {  	s0 =	simm.s32 $0xAD30;
	[sflag:s29] =	ssyncadd.s32 $0xFFFFF800  }
0x46: {  	[tilespmem:s0], [sflag:$0x6] =	stream.indirect.gather [hbm4b:s7+s28], $0x1, s30, s28, $0xb8;
	[tilespmem:$0xF530] =	vst v63  }
0x47: {  	s16 =	simm.s32 $0xBD30  }
0x48: {  	[tilespmem:s16], [sflag:$0x6] =	stream.indirect.gather [hbm4b:s8+s28], $0x1, s30, s28, $0xb8;
	[tilespmem:$0xF530] =	vst v63  }
0x49: {  	s17 =	simm.s32 $0xCD30  }
0x4a: {  	[tilespmem:s17], [sflag:$0x6] =	stream.indirect.gather [hbm4b:s9+s28], $0x1, s30, s28, $0xb8;
	[tilespmem:$0xF530] =	vst v63  }
0x4b: {  	_ =	swait.ge [sflag:s14], $0x800  }
0x4c: {  	[sflag:s14] =	ssyncset.done $0x0  }
0x4d: {  	[sflag:s14] =	ssyncadd.s32 $0xFFFFF800  }
0x4e: {  	_ =	swait.ge [sflag:s14], $0x800  }
0x4f: {  	[sflag:s14] =	ssyncset.done $0x0  }
0x50: {  	[sflag:s14] =	ssyncadd.s32 $0xFFFFF800  }
0x51: {  	_ =	swait.ge [sflag:s14], $0x800  }
0x52: {  	[sflag:s14] =	ssyncset.done $0x0  }
0x53: {  	p0 =	seq.s32 s31, $0x1E;
	[sflag:s14] =	ssyncadd.s32 $0xFFFFF800  }
0x54: {  	p1 =	seq.s32 @!p0 s31, $0x0;
	_ =	swait.ge [sflag:s15], $0x800  }
0x55: {  	p1 =	por p0, !p1;
	[sflag:s15] =	ssyncset.done $0x0  }
.Ltmp2:
0x56: {  	[sflag:s15] =	ssyncadd.s32 $0xFFFFF800;
	(pc) =	sbr.rel @!p1 .LBB2_3-.Ltmp2, $4  }
0x57: {  	_ =	swait.ge [sflag:s15], $0x800  }
0x58: {  	s5 =	simm.s32 @!p0 $0x0;
	s0 =	sshll.u32 s31, $0xE;
	[sflag:s15] =	ssyncset.done $0x0  }
0x59: {  	s13 =	simm.s32 @!p0 $0x7530;
	s4 =	sadd.s32 @!p0 s22, s0;
	[sflag:s15] =	ssyncadd.s32 $0xFFFFF800  }
0x5a: {  	[tilespmem:s13], [sflag:$0x1] =	stream.linear.gather @!p0 [hbm4b:s4+s5], $0x800, $0x38;
	[tilespmem:$0xF530] =	vst v63  }
0x5b: {  	_ =	swait.ge [sflag:s24], $0x800  }
.Ltmp3:
0x5c: {  	[sflag:s24] =	ssyncset.done $0x0;
	(pc) =	sbr.rel .LBB2_5-.Ltmp3, $4  }
0x5d: {  	[sflag:s24] =	ssyncadd.s32 $0xFFFFF800  }
0x5e: {  	_ =	swait.ge [sflag:s24], $0x800  }
0x5f: {  	[sflag:s24] =	ssyncset.done $0x0  }
0x60: {  	p1 =	por $0x0, $0x0;
	[sflag:s24] =	ssyncadd.s32 $0xFFFFF800  }
.LBB2_3:
0x61: {  	p1 =	por @!p0 $0x1, $0x1  }
.LBB2_5:
0x62: {  	s13 =	simm.s32 $0x0  }
0x63: {  	v0 =	vld [tilespmem:s13+$0x8530];
	_ =	sdelay $0x4  }
0x64: {  	v1 =	vadd.s32 $0x2EE0, v0  }
0x65: {  	v2 =	vadd.s32 $0x2328, v0;
	_ =	sdelay $0x1  }
0x66: {  	v3 =	vadd.s32 $0x3A98, v0;
	_ =	sdelay $0x1  }
0x67: {  	v4 =	vadd.s32 $0x4650, v0;
	v1 =	vld.idx.msk [tilespmem:v1+s1+$0x0], $0xffff  }
0x68: {  	v2 =	vld.idx.msk [tilespmem:v2+s1+$0x0], $0xffff;
	_ =	sdelay $0x1  }
0x69: {  	v3 =	vld.idx.msk [tilespmem:v3+s1+$0x0], $0xffff;
	_ =	sdelay $0x1  }
0x6a: {  	v4 =	vld.idx.msk [tilespmem:v4+s1+$0x0], $0xffff  }
0x6b: {  	v5 =	vmul.f32 v2, v2;
	v6 =	vmul.f32 v1, v1;
	_ =	sdelay $0x1  }
0x6c: {  	v5 =	vadd.f32 v6, v5;
	v6 =	vmul.f32 v3, v3  }
0x6d: {  	v7 =	vld [tilespmem:s13+$0xA530]  }
0x6e: {  	v9 =	vld [tilespmem:s13+$0xC530];
	v5 =	vadd.f32 v6, v5;
	v6 =	vmul.f32 v4, v4  }
0x6f: {  	v8 =	vld [tilespmem:s13+$0xB530]  }
0x70: {  	v5 =	vadd.f32 v6, v5;
	_ =	sdelay $0x1  }
0x71: {  	(erf) = vrcp.f32 v5  }
0x72: {  	v10 =	vmul.f32 v1, v9;
	v11 =	vmul.f32 v2, v9  }
0x73: {  	v6 =	vmul.f32 v3, v7;
	v5 =	vmul.f32 v3, v8  }
0x74: {  	v12 =	vmul.f32 v1, v7  }
0x75: {  	v58 =	vmul.f32 v2, v8;
	v6 =	vsub.f32 v6, v11;
	v5 =	vsub.f32 v10, v5  }
0x76: {  	v59 =	vadd.s32 $0x1770, v0  }
0x77: {  	v10 =	vsub.f32 v58, v12;
	v60 =	vmul.f32 v6, v2;
	v13 =	vmul.f32 v5, v1;
	_ =	sdelay $0x1  }
0x78: {  	v61 =	vmul.f32 v10, v4;
	v12 =	vsub.f32 v60, v13  }
0x79: {  	v14 =	vpop (erf)  }
0x7a: {  	v12 =	vadd.f32 v12, v61;
	v14 =	vadd.f32 v14, v14  }
0x7b: {  	v11 =	vld.idx.msk [tilespmem:v59+s1+$0x0], $0xffff  }
0x7c: {  	v12 =	vmul.f32 v12, v14;
	_ =	sdelay $0x1  }
0x7d: {  	v9 =	vadd.f32 v12, v9  }
0x7e: {  	v62 =	vadd.s32 $0xBB8, v0;
	v1 =	vmul.f32 v10, v1;
	v63 =	vmul.f32 v5, v3  }
0x7f: {  	v3 =	vmul.f32 v6, v3;
	v2 =	vmul.f32 v10, v2;
	v9 =	vadd.f32 v9, v11  }
0x80: {  	v5 =	vmul.f32 v5, v4;
	v4 =	vmul.f32 v6, v4  }
0x81: {  	v1 =	vsub.f32 v1, v3;
	v2 =	vsub.f32 v63, v2;
	(erf) = vrcp.f32 v9  }
0x82: {  	v6 =	vld [tilespmem:s13+$0x9530]  }
0x83: {  	v0 =	vld.idx.msk [tilespmem:v0+s1+$0x0], $0xffff;
	v1 =	vadd.f32 v1, v5;
	v2 =	vadd.f32 v2, v4  }
0x84: {  	v3 =	vld.idx.msk [tilespmem:v62+s1+$0x0], $0xffff  }
0x85: {  	v1 =	vmul.f32 v1, v14;
	v2 =	vmul.f32 v2, v14;
	_ =	sdelay $0x1  }
0x86: {  	v4 =	vadd.s32 $0x1770, v6;
	v1 =	vadd.f32 v1, v7;
	v2 =	vadd.f32 v2, v8;
	_ =	sdelay $0x1  }
0x87: {  	v5 =	vadd.s32 $0xBB8, v6;
	v0 =	vadd.f32 v1, v0;
	v1 =	vadd.f32 v2, v3  }
0x88: {  	v3 =	vpop (erf)  }
0x89: {  	v2 =	vmul.f32 v3, v0;
	v3 =	vmul.f32 v3, v1  }
0x8a: {  	v0 =	vld.idx.msk [tilespmem:v4+s25+$0x0], $0xffff  }
0x8b: {  	v1 =	vmul.f32 v2, v2;
	v4 =	vmul.f32 v3, v3  }
0x8c: {  	v5 =	vld.idx.msk [tilespmem:v5+s25+$0x0], $0xffff  }
0x8d: {  	v4 =	vadd.f32 v4, v1;
	_ =	sdelay $0x1  }
0x8e: {  	v0 =	vmul.f32 v4, v0;
	_ =	sdelay $0x1  }
0x8f: {  	v5 =	vadd.f32 v0, v5  }
0x90: {  	s17 =	simm.s32 $0x10;
	v0 =	vld.idx.msk [tilespmem:v6+s25+$0x0], $0xffff  }
0x91: {  	s4 =	sshll.u32 s31, $0x1;
	s5 =	sor.u32 s11, s0;
	s16 =	simm.s32 $0x80;
	v1 =	vld [tilespmem:s17+$0x8530];
	v4 =	vmul.f32 v5, v4  }
.LBB2_6:
0x92: {  	p2 =	sne.s32 s16, $0x1FC0  }
0x93: {  	v4 =	vadd.f32 $1.000000000e+00, v4;
	_ =	sdelay $0x1  }
0x94: {  	v0 =	vmul.f32 v4, v0  }
0x95: {  	v4 =	vadd.s32 $0x2EE0, v1  }
0x96: {  	v5 =	vadd.s32 $0x2328, v1;
	v2 =	vmul.f32 v0, v2;
	v0 =	vmul.f32 v0, v3  }
0x97: {  	v6 =	vadd.s32 $0x3A98, v1;
	v3 =	vld [tilespmem:s17+$0x9530]  }
0x98: {  	v7 =	vadd.s32 $0x4650, v1;
	[tilespmem:s13+$0xE530] =	vst v0  }
0x99: {  	v0 =	vadd.s32 $0x1770, v1;
	[tilespmem:s13+$0xD530] =	vst v2;
	s13 =	smov.u32 s17  }
0x9a: {  	v2 =	vadd.s32 $0xBB8, v1;
	v4 =	vld.idx.msk [tilespmem:v4+s1+$0x0], $0xffff  }
0x9b: {  	v5 =	vld.idx.msk [tilespmem:v5+s1+$0x0], $0xffff  }
0x9c: {  	v6 =	vld.idx.msk [tilespmem:v6+s1+$0x0], $0xffff;
	v8 =	vadd.s32 $0x1770, v3  }
0x9d: {  	v9 =	vadd.s32 $0xBB8, v3;
	v7 =	vld.idx.msk [tilespmem:v7+s1+$0x0], $0xffff  }
0x9e: {  	v10 =	vld.idx.msk [tilespmem:v0+s1+$0x0], $0xffff  }
0x9f: {  	v2 =	vld.idx.msk [tilespmem:v2+s1+$0x0], $0xffff  }
0xa0: {  	v1 =	vld.idx.msk [tilespmem:v1+s1+$0x0], $0xffff  }
0xa1: {  	v12 =	vmul.f32 v4, v4;
	v11 =	vmul.f32 v5, v5;
	v8 =	vld.idx.msk [tilespmem:v8+s25+$0x0], $0xffff  }
0xa2: {  	v9 =	vld.idx.msk [tilespmem:v9+s25+$0x0], $0xffff  }
0xa3: {  	v0 =	vld.idx.msk [tilespmem:v3+s25+$0x0], $0xffff;
	v3 =	vadd.f32 v12, v11;
	v11 =	vmul.f32 v6, v6  }
0xa4: {  	v12 =	vld [tilespmem:s13+$0xA530]  }
0xa5: {  	v13 =	vld [tilespmem:s13+$0xB530];
	v3 =	vadd.f32 v11, v3;
	v11 =	vmul.f32 v7, v7  }
0xa6: {  	v14 =	vld [tilespmem:s13+$0xC530]  }
0xa7: {  	v3 =	vadd.f32 v11, v3;
	_ =	sdelay $0x1  }
0xa8: {  	(erf) = vrcp.f32 v3  }
0xa9: {  	v11 =	vmul.f32 v6, v12;
	v3 =	vmul.f32 v6, v13  }
0xaa: {  	v15 =	vmul.f32 v4, v14;
	v16 =	vmul.f32 v5, v14  }
0xab: {  	v17 =	vmul.f32 v4, v12  }
0xac: {  	v3 =	vsub.f32 v15, v3;
	v11 =	vsub.f32 v11, v16;
	v15 =	vmul.f32 v5, v13;
	_ =	sdelay $0x1  }
0xad: {  	v15 =	vsub.f32 v15, v17;
	v16 =	vmul.f32 v11, v5;
	v17 =	vmul.f32 v3, v4;
	_ =	sdelay $0x1  }
0xae: {  	v16 =	vsub.f32 v16, v17;
	v17 =	vmul.f32 v15, v7  }
0xaf: {  	v18 =	vpop (erf)  }
0xb0: {  	v18 =	vadd.f32 v18, v18;
	v16 =	vadd.f32 v16, v17;
	_ =	sdelay $0x1  }
0xb1: {  	v16 =	vmul.f32 v16, v18;
	_ =	sdelay $0x1  }
0xb2: {  	v14 =	vadd.f32 v16, v14  }
0xb3: {  	v4 =	vmul.f32 v15, v4;
	v16 =	vmul.f32 v3, v6  }
0xb4: {  	v5 =	vmul.f32 v15, v5;
	v6 =	vmul.f32 v11, v6;
	v10 =	vadd.f32 v14, v10  }
0xb5: {  	v3 =	vmul.f32 v3, v7;
	v7 =	vmul.f32 v11, v7  }
0xb6: {  	v4 =	vsub.f32 v4, v6;
	v5 =	vsub.f32 v16, v5;
	(erf) = vrcp.f32 v10;
	_ =	sdelay $0x1  }
0xb7: {  	v3 =	vadd.f32 v4, v3;
	v4 =	vadd.f32 v5, v7;
	_ =	sdelay $0x1  }
0xb8: {  	v3 =	vmul.f32 v3, v18;
	v4 =	vmul.f32 v4, v18;
	_ =	sdelay $0x1  }
0xb9: {  	v3 =	vadd.f32 v3, v12;
	v5 =	vadd.f32 v4, v13;
	_ =	sdelay $0x1  }
0xba: {  	v1 =	vadd.f32 v3, v1;
	v3 =	vadd.f32 v5, v2  }
0xbb: {  	v4 =	vpop (erf)  }
0xbc: {  	v2 =	vmul.f32 v4, v1;
	v3 =	vmul.f32 v4, v3;
	_ =	sdelay $0x1  }
0xbd: {  	v1 =	vmul.f32 v2, v2;
	v4 =	vmul.f32 v3, v3;
	_ =	sdelay $0x1  }
0xbe: {  	v4 =	vadd.f32 v4, v1;
	_ =	sdelay $0x1  }
.Ltmp4:
0xbf: {  	v1 =	vmul.f32 v4, v8;
	(pc) =	sbr.rel @p2 .LBB2_6-.Ltmp4, $4  }
0xc0: {  	_ = 	snop  }
0xc1: {  	v5 =	vadd.f32 v1, v9  }
0xc2: {  	s17 =	sshra.s32 s16, $0x2  }
0xc3: {  	s16 =	sadd.s32 $0x40, s16;
	v1 =	vld [tilespmem:s17+$0x8530];
	v4 =	vmul.f32 v5, v4  }
0xc4: {  	_ = 	snop  }
0xc5: {  	v4 =	vadd.f32 $1.000000000e+00, v4;
	_ =	sdelay $0x1  }
0xc6: {  	v0 =	vmul.f32 v4, v0  }
0xc7: {  	v4 =	vadd.s32 $0x2EE0, v1  }
0xc8: {  	v5 =	vadd.s32 $0x2328, v1;
	v3 =	vmul.f32 v0, v3  }
0xc9: {  	v0 =	vmul.f32 v0, v2  }
0xca: {  	v6 =	vadd.s32 $0x3A98, v1;
	v2 =	vld [tilespmem:s17+$0x9530];
	[tilespmem:s13+$0xE530] =	vst v3  }
0xcb: {  	[tilespmem:s13+$0xD530] =	vst v0  }
0xcc: {  	v0 =	vadd.s32 $0x4650, v1;
	v3 =	vld.idx.msk [tilespmem:v4+s1+$0x0], $0xffff  }
0xcd: {  	v4 =	vld.idx.msk [tilespmem:v5+s1+$0x0], $0xffff;
	_ =	sdelay $0x1  }
0xce: {  	v5 =	vld.idx.msk [tilespmem:v6+s1+$0x0], $0xffff;
	_ =	sdelay $0x1  }
0xcf: {  	v0 =	vld.idx.msk [tilespmem:v0+s1+$0x0], $0xffff  }
0xd0: {  	v6 =	vmul.f32 v4, v4;
	v7 =	vmul.f32 v3, v3;
	_ =	sdelay $0x1  }
0xd1: {  	v6 =	vadd.f32 v7, v6;
	v7 =	vmul.f32 v5, v5  }
0xd2: {  	v8 =	vld [tilespmem:s17+$0xA530]  }
0xd3: {  	v10 =	vld [tilespmem:s17+$0xC530];
	v6 =	vadd.f32 v7, v6;
	v7 =	vmul.f32 v0, v0  }
0xd4: {  	v9 =	vld [tilespmem:s17+$0xB530]  }
0xd5: {  	v6 =	vadd.f32 v7, v6;
	_ =	sdelay $0x1  }
0xd6: {  	(erf) = vrcp.f32 v6  }
0xd7: {  	v11 =	vmul.f32 v3, v10;
	v12 =	vmul.f32 v4, v10  }
0xd8: {  	v7 =	vmul.f32 v5, v8;
	v6 =	vmul.f32 v5, v9  }
0xd9: {  	v13 =	vmul.f32 v3, v8  }
0xda: {  	v45 =	vmul.f32 v4, v9;
	v7 =	vsub.f32 v7, v12;
	v6 =	vsub.f32 v11, v6  }
0xdb: {  	v46 =	vadd.s32 $0x1770, v1  }
0xdc: {  	v11 =	vsub.f32 v45, v13;
	v47 =	vmul.f32 v7, v4;
	v14 =	vmul.f32 v6, v3;
	_ =	sdelay $0x1  }
0xdd: {  	v48 =	vmul.f32 v11, v0;
	v13 =	vsub.f32 v47, v14  }
0xde: {  	v15 =	vpop (erf)  }
0xdf: {  	v13 =	vadd.f32 v13, v48;
	v15 =	vadd.f32 v15, v15  }
0xe0: {  	v12 =	vld.idx.msk [tilespmem:v46+s1+$0x0], $0xffff  }
0xe1: {  	v13 =	vmul.f32 v13, v15;
	_ =	sdelay $0x1  }
0xe2: {  	v3 =	vmul.f32 v11, v3;
	v10 =	vadd.f32 v13, v10  }
0xe3: {  	v50 =	vmul.f32 v6, v5;
	v5 =	vmul.f32 v7, v5  }
0xe4: {  	v49 =	vadd.s32 $0xBB8, v1;
	v4 =	vmul.f32 v11, v4;
	v10 =	vadd.f32 v10, v12  }
0xe5: {  	v6 =	vmul.f32 v6, v0;
	v3 =	vsub.f32 v3, v5  }
0xe6: {  	v0 =	vmul.f32 v7, v0;
	v4 =	vsub.f32 v50, v4;
	(erf) = vrcp.f32 v10  }
0xe7: {  	v3 =	vadd.f32 v3, v6  }
0xe8: {  	v1 =	vld.idx.msk [tilespmem:v1+s1+$0x0], $0xffff;
	v0 =	vadd.f32 v4, v0  }
0xe9: {  	v5 =	vld.idx.msk [tilespmem:v49+s1+$0x0], $0xffff;
	v3 =	vmul.f32 v3, v15  }
0xea: {  	v0 =	vmul.f32 v0, v15  }
0xeb: {  	v3 =	vadd.f32 v3, v8  }
0xec: {  	v4 =	vadd.s32 $0x1770, v2;
	v0 =	vadd.f32 v0, v9;
	_ =	sdelay $0x1  }
0xed: {  	v6 =	vadd.s32 $0xBB8, v2;
	v1 =	vadd.f32 v3, v1;
	v0 =	vadd.f32 v0, v5  }
0xee: {  	v3 =	vpop (erf)  }
0xef: {  	v1 =	vmul.f32 v3, v1;
	v0 =	vmul.f32 v3, v0  }
0xf0: {  	v3 =	vld.idx.msk [tilespmem:v4+s25+$0x0], $0xffff  }
0xf1: {  	v4 =	vmul.f32 v1, v1;
	v5 =	vmul.f32 v0, v0  }
0xf2: {  	v6 =	vld.idx.msk [tilespmem:v6+s25+$0x0], $0xffff  }
0xf3: {  	v4 =	vadd.f32 v5, v4;
	_ =	sdelay $0x1  }
0xf4: {  	v3 =	vmul.f32 v4, v3;
	_ =	sdelay $0x1  }
0xf5: {  	v3 =	vadd.f32 v3, v6  }
0xf6: {  	v2 =	vld.idx.msk [tilespmem:v2+s25+$0x0], $0xffff  }
0xf7: {  	v3 =	vmul.f32 v3, v4;
	_ =	sdelay $0x1  }
0xf8: {  	v3 =	vadd.f32 $1.000000000e+00, v3;
	_ =	sdelay $0x1  }
0xf9: {  	v2 =	vmul.f32 v3, v2;
	_ =	sdelay $0x1  }
0xfa: {  	v0 =	vmul.f32 v2, v0  }
0xfb: {  	v1 =	vmul.f32 v2, v1  }
0xfc: {  	s4 =	sor.u32 @!p0 $0x1, s4;
	[tilespmem:s17+$0xE530] =	vst v0  }
0xfd: {  	s16 =	simm.s32 $0xD530;
	p2 =	sgt.u32 @!p0 s4, $0x3C;
	[tilespmem:s17+$0xD530] =	vst v1;
	s17 =	sadd.s32 s10, s5  }
0xfe: {  	[hbm4b:s17+s1] =	stream.linear.scatter [tilespmem:s16], [sflag:$0x7], $0x800, $0x38;
	[tilespmem:$0xF530] =	vst v63  }
0xff: {  	s16 =	sadd.s32 s12, s5;
	s17 =	simm.s32 $0xE530;
	s5 =	sadd.s32 @!p0 s20, s0  }
0x100: {  	[hbm4b:s16+s1] =	stream.linear.scatter [tilespmem:s17], [sflag:$0x7], $0x800, $0x38;
	[tilespmem:$0xF530] =	vst v63  }
0x101: {  	s13 =	sadd.s32 @!p0 s2, s5;
	s16 =	simm.s32 @!p0 $0x0;
	s17 =	simm.s32 @!p0 $0x8530  }
0x102: {  	[tilespmem:s17], [sflag:$0x3] =	stream.linear.gather @!p0 [hbm4b:s13+s16], $0x800, $0x38;
	[tilespmem:$0xF530] =	vst v63  }
0x103: {  	p2 =	por p2, p0;
	s5 =	sadd.s32 @!p0 s3, s5;
	s13 =	simm.s32 @!p0 $0x9530  }
0x104: {  	[tilespmem:s13], [sflag:$0x3] =	stream.linear.gather @!p0 [hbm4b:s5+s16], $0x800, $0x38;
	[tilespmem:$0xF530] =	vst v63  }
0x105: {  	s5 =	simm.s32 @!p2 $0x1  }
0x106: {  	_ =	swait.ge @!p2 [sflag:s5], $0x800  }
0x107: {  	s17 =	simm.s32 @!p2 $0xA530;
	[sflag:s5] =	ssyncset.done @!p2 $0x0  }
0x108: {  	s13 =	simm.s32 @!p2 $0x7530;
	[sflag:s5] =	ssyncadd.s32 @!p2 $0xFFFFF800;
	s5 =	simm.s32 @!p2 $0x800  }
0x109: {  	[tilespmem:s17], [sflag:$0x5] =	stream.indirect.gather @!p2 [hbm4b:s7+s5], $0x1, s13, s5, $0xb8;
	[tilespmem:$0xF530] =	vst v63  }
0x10a: {  	s17 =	simm.s32 @!p2 $0xB530  }
0x10b: {  	[tilespmem:s17], [sflag:$0x5] =	stream.indirect.gather @!p2 [hbm4b:s8+s5], $0x1, s13, s5, $0xb8;
	[tilespmem:$0xF530] =	vst v63  }
0x10c: {  	s17 =	simm.s32 @!p2 $0xC530  }
0x10d: {  	[tilespmem:s17], [sflag:$0x5] =	stream.indirect.gather @!p2 [hbm4b:s9+s5], $0x1, s13, s5, $0xb8;
	[tilespmem:$0xF530] =	vst v63  }
0x10e: {  	_ =	swait.ge [sflag:s18], $0x800  }
0x10f: {  	[sflag:s18] =	ssyncset.done $0x0  }
0x110: {  	[sflag:s18] =	ssyncadd.s32 $0xFFFFF800  }
0x111: {  	_ =	swait.ge [sflag:s18], $0x800  }
0x112: {  	[sflag:s18] =	ssyncset.done $0x0  }
0x113: {  	[sflag:s18] =	ssyncadd.s32 $0xFFFFF800  }
0x114: {  	_ =	swait.ge [sflag:s18], $0x800  }
0x115: {  	[sflag:s18] =	ssyncset.done $0x0  }
0x116: {  	[sflag:s18] =	ssyncadd.s32 $0xFFFFF800  }
0x117: {  	_ =	swait.ge [sflag:s19], $0x800  }
0x118: {  	[sflag:s19] =	ssyncset.done $0x0  }
0x119: {  	[sflag:s19] =	ssyncadd.s32 $0xFFFFF800  }
0x11a: {  	_ =	swait.ge [sflag:s19], $0x800  }
0x11b: {  	[sflag:s19] =	ssyncset.done $0x0  }
0x11c: {  	s5 =	sadd.s32 @!p0 s23, s0;
	s13 =	simm.s32 @!p0 $0x7D30;
	[sflag:s19] =	ssyncadd.s32 $0xFFFFF800  }
0x11d: {  	[tilespmem:s13], [sflag:$0x2] =	stream.linear.gather @!p0 [hbm4b:s5+s16], $0x800, $0x38;
	[tilespmem:$0xF530] =	vst v63  }
0x11e: {  	s5 =	simm.s32 @!p1 $0x8  }
0x11f: {  	_ =	swait.ge @!p1 [sflag:s5], $0x800  }
0x120: {  	[sflag:s5] =	ssyncset.done @!p1 $0x0  }
0x121: {  	[sflag:s5] =	ssyncadd.s32 @!p1 $0xFFFFF800  }
0x122: {  	_ =	swait.ge @!p1 [sflag:s5], $0x800  }
0x123: {  	[sflag:s5] =	ssyncset.done @!p1 $0x0  }
0x124: {  	[sflag:s5] =	ssyncadd.s32 @!p1 $0xFFFFF800;
	s5 =	simm.s32 $0x0  }
0x125: {  	v0 =	vld [tilespmem:s5+$0x8D30];
	_ =	sdelay $0x4  }
0x126: {  	v1 =	vadd.s32 $0x2EE0, v0  }
0x127: {  	v2 =	vadd.s32 $0x2328, v0;
	_ =	sdelay $0x1  }
0x128: {  	v3 =	vadd.s32 $0x3A98, v0;
	_ =	sdelay $0x1  }
0x129: {  	v4 =	vadd.s32 $0x4650, v0;
	v1 =	vld.idx.msk [tilespmem:v1+s1+$0x0], $0xffff  }
0x12a: {  	v2 =	vld.idx.msk [tilespmem:v2+s1+$0x0], $0xffff;
	_ =	sdelay $0x1  }
0x12b: {  	v3 =	vld.idx.msk [tilespmem:v3+s1+$0x0], $0xffff;
	_ =	sdelay $0x1  }
0x12c: {  	v4 =	vld.idx.msk [tilespmem:v4+s1+$0x0], $0xffff  }
0x12d: {  	v5 =	vmul.f32 v2, v2;
	v6 =	vmul.f32 v1, v1;
	_ =	sdelay $0x1  }
0x12e: {  	v5 =	vadd.f32 v6, v5;
	v6 =	vmul.f32 v3, v3  }
0x12f: {  	v7 =	vld [tilespmem:s5+$0xAD30]  }
0x130: {  	v52 =	vld [tilespmem:s5+$0xCD30];
	v5 =	vadd.f32 v6, v5;
	v6 =	vmul.f32 v4, v4  }
0x131: {  	v51 =	vld [tilespmem:s5+$0xBD30]  }
0x132: {  	v5 =	vadd.f32 v6, v5;
	_ =	sdelay $0x1  }
0x133: {  	(erf) = vrcp.f32 v5  }
0x134: {  	v53 =	vmul.f32 v1, v52;
	v54 =	vmul.f32 v2, v52  }
0x135: {  	v6 =	vmul.f32 v3, v7;
	v5 =	vmul.f32 v3, v51  }
0x136: {  	v55 =	vmul.f32 v1, v7  }
0x137: {  	v56 =	vmul.f32 v2, v51;
	v6 =	vsub.f32 v6, v54;
	v5 =	vsub.f32 v53, v5  }
0x138: {  	v57 =	vadd.s32 $0x1770, v0  }
0x139: {  	v10 =	vsub.f32 v56, v55;
	v58 =	vmul.f32 v6, v2;
	v59 =	vmul.f32 v5, v1;
	_ =	sdelay $0x1  }
0x13a: {  	v60 =	vmul.f32 v10, v4;
	v12 =	vsub.f32 v58, v59  }
0x13b: {  	v61 =	vpop (erf)  }
0x13c: {  	v12 =	vadd.f32 v12, v60;
	v14 =	vadd.f32 v61, v61  }
0x13d: {  	v11 =	vld.idx.msk [tilespmem:v57+s1+$0x0], $0xffff  }
0x13e: {  	v12 =	vmul.f32 v12, v14;
	_ =	sdelay $0x1  }
0x13f: {  	v9 =	vadd.f32 v12, v52  }
0x140: {  	v62 =	vadd.s32 $0xBB8, v0;
	v2 =	vmul.f32 v10, v2;
	v1 =	vmul.f32 v10, v1  }
0x141: {  	v63 =	vmul.f32 v5, v3;
	v3 =	vmul.f32 v6, v3;
	v9 =	vadd.f32 v9, v11  }
0x142: {  	v5 =	vmul.f32 v5, v4;
	v4 =	vmul.f32 v6, v4  }
0x143: {  	v1 =	vsub.f32 v1, v3;
	v2 =	vsub.f32 v63, v2;
	(erf) = vrcp.f32 v9  }
0x144: {  	v6 =	vld [tilespmem:s5+$0x9D30]  }
0x145: {  	v0 =	vld.idx.msk [tilespmem:v0+s1+$0x0], $0xffff;
	v1 =	vadd.f32 v1, v5;
	v2 =	vadd.f32 v2, v4  }
0x146: {  	v3 =	vld.idx.msk [tilespmem:v62+s1+$0x0], $0xffff  }
0x147: {  	v1 =	vmul.f32 v1, v14;
	v2 =	vmul.f32 v2, v14;
	_ =	sdelay $0x1  }
0x148: {  	v4 =	vadd.s32 $0x1770, v6;
	v1 =	vadd.f32 v1, v7;
	v2 =	vadd.f32 v2, v51;
	_ =	sdelay $0x1  }
0x149: {  	v5 =	vadd.s32 $0xBB8, v6;
	v0 =	vadd.f32 v1, v0;
	v1 =	vadd.f32 v2, v3  }
0x14a: {  	v3 =	vpop (erf)  }
0x14b: {  	v2 =	vmul.f32 v3, v0;
	v3 =	vmul.f32 v3, v1  }
0x14c: {  	v0 =	vld.idx.msk [tilespmem:v4+s25+$0x0], $0xffff  }
0x14d: {  	v1 =	vmul.f32 v2, v2;
	v4 =	vmul.f32 v3, v3  }
0x14e: {  	v5 =	vld.idx.msk [tilespmem:v5+s25+$0x0], $0xffff  }
0x14f: {  	v4 =	vadd.f32 v4, v1;
	_ =	sdelay $0x1  }
0x150: {  	v0 =	vmul.f32 v4, v0;
	_ =	sdelay $0x1  }
0x151: {  	s4 =	simm.s32 @p0 $0x3D;
	v5 =	vadd.f32 v0, v5  }
0x152: {  	s4 =	sshll.u32 s4, $0xD;
	s16 =	simm.s32 $0x10;
	v0 =	vld.idx.msk [tilespmem:v6+s25+$0x0], $0xffff  }
0x153: {  	s4 =	sor.u32 s11, s4;
	s13 =	simm.s32 $0x80;
	v1 =	vld [tilespmem:s16+$0x8D30];
	v4 =	vmul.f32 v5, v4  }
.LBB2_8:
0x154: {  	p1 =	sne.s32 s13, $0x1FC0  }
0x155: {  	v4 =	vadd.f32 $1.000000000e+00, v4;
	_ =	sdelay $0x1  }
0x156: {  	v0 =	vmul.f32 v4, v0  }
0x157: {  	v4 =	vadd.s32 $0x2EE0, v1  }
0x158: {  	v5 =	vadd.s32 $0x2328, v1;
	v2 =	vmul.f32 v0, v2;
	v0 =	vmul.f32 v0, v3  }
0x159: {  	v6 =	vadd.s32 $0x3A98, v1;
	v3 =	vld [tilespmem:s16+$0x9D30]  }
0x15a: {  	v7 =	vadd.s32 $0x4650, v1;
	[tilespmem:s5+$0xED30] =	vst v0  }
0x15b: {  	v0 =	vadd.s32 $0x1770, v1;
	[tilespmem:s5+$0xDD30] =	vst v2;
	s5 =	smov.u32 s16  }
0x15c: {  	v2 =	vadd.s32 $0xBB8, v1;
	v4 =	vld.idx.msk [tilespmem:v4+s1+$0x0], $0xffff  }
0x15d: {  	v5 =	vld.idx.msk [tilespmem:v5+s1+$0x0], $0xffff  }
0x15e: {  	v6 =	vld.idx.msk [tilespmem:v6+s1+$0x0], $0xffff;
	v8 =	vadd.s32 $0x1770, v3  }
0x15f: {  	v9 =	vadd.s32 $0xBB8, v3;
	v7 =	vld.idx.msk [tilespmem:v7+s1+$0x0], $0xffff  }
0x160: {  	v10 =	vld.idx.msk [tilespmem:v0+s1+$0x0], $0xffff  }
0x161: {  	v2 =	vld.idx.msk [tilespmem:v2+s1+$0x0], $0xffff  }
0x162: {  	v1 =	vld.idx.msk [tilespmem:v1+s1+$0x0], $0xffff  }
0x163: {  	v12 =	vmul.f32 v4, v4;
	v11 =	vmul.f32 v5, v5;
	v8 =	vld.idx.msk [tilespmem:v8+s25+$0x0], $0xffff  }
0x164: {  	v9 =	vld.idx.msk [tilespmem:v9+s25+$0x0], $0xffff  }
0x165: {  	v0 =	vld.idx.msk [tilespmem:v3+s25+$0x0], $0xffff;
	v3 =	vadd.f32 v12, v11;
	v11 =	vmul.f32 v6, v6  }
0x166: {  	v12 =	vld [tilespmem:s5+$0xAD30]  }
0x167: {  	v13 =	vld [tilespmem:s5+$0xBD30];
	v3 =	vadd.f32 v11, v3;
	v11 =	vmul.f32 v7, v7  }
0x168: {  	v14 =	vld [tilespmem:s5+$0xCD30]  }
0x169: {  	v3 =	vadd.f32 v11, v3;
	_ =	sdelay $0x1  }
0x16a: {  	(erf) = vrcp.f32 v3  }
0x16b: {  	v11 =	vmul.f32 v6, v12;
	v3 =	vmul.f32 v6, v13  }
0x16c: {  	v15 =	vmul.f32 v4, v14;
	v16 =	vmul.f32 v5, v14  }
0x16d: {  	v17 =	vmul.f32 v4, v12  }
0x16e: {  	v3 =	vsub.f32 v15, v3;
	v11 =	vsub.f32 v11, v16;
	v15 =	vmul.f32 v5, v13;
	_ =	sdelay $0x1  }
0x16f: {  	v15 =	vsub.f32 v15, v17;
	v16 =	vmul.f32 v11, v5;
	v17 =	vmul.f32 v3, v4;
	_ =	sdelay $0x1  }
0x170: {  	v16 =	vsub.f32 v16, v17;
	v17 =	vmul.f32 v15, v7  }
0x171: {  	v18 =	vpop (erf)  }
0x172: {  	v18 =	vadd.f32 v18, v18;
	v16 =	vadd.f32 v16, v17;
	_ =	sdelay $0x1  }
0x173: {  	v16 =	vmul.f32 v16, v18;
	_ =	sdelay $0x1  }
0x174: {  	v14 =	vadd.f32 v16, v14  }
0x175: {  	v4 =	vmul.f32 v15, v4;
	v16 =	vmul.f32 v3, v6  }
0x176: {  	v5 =	vmul.f32 v15, v5;
	v6 =	vmul.f32 v11, v6;
	v10 =	vadd.f32 v14, v10  }
0x177: {  	v3 =	vmul.f32 v3, v7;
	v7 =	vmul.f32 v11, v7  }
0x178: {  	v4 =	vsub.f32 v4, v6;
	v5 =	vsub.f32 v16, v5;
	(erf) = vrcp.f32 v10;
	_ =	sdelay $0x1  }
0x179: {  	v3 =	vadd.f32 v4, v3;
	v4 =	vadd.f32 v5, v7;
	_ =	sdelay $0x1  }
0x17a: {  	v3 =	vmul.f32 v3, v18;
	v4 =	vmul.f32 v4, v18;
	_ =	sdelay $0x1  }
0x17b: {  	v3 =	vadd.f32 v3, v12;
	v5 =	vadd.f32 v4, v13;
	_ =	sdelay $0x1  }
0x17c: {  	v1 =	vadd.f32 v3, v1;
	v3 =	vadd.f32 v5, v2  }
0x17d: {  	v4 =	vpop (erf)  }
0x17e: {  	v2 =	vmul.f32 v4, v1;
	v3 =	vmul.f32 v4, v3;
	_ =	sdelay $0x1  }
0x17f: {  	v1 =	vmul.f32 v2, v2;
	v4 =	vmul.f32 v3, v3;
	_ =	sdelay $0x1  }
0x180: {  	v4 =	vadd.f32 v4, v1;
	_ =	sdelay $0x1  }
.Ltmp5:
0x181: {  	v1 =	vmul.f32 v4, v8;
	(pc) =	sbr.rel @p1 .LBB2_8-.Ltmp5, $4  }
0x182: {  	_ = 	snop  }
0x183: {  	v5 =	vadd.f32 v1, v9  }
0x184: {  	s16 =	sshra.s32 s13, $0x2  }
0x185: {  	s13 =	sadd.s32 $0x40, s13;
	v1 =	vld [tilespmem:s16+$0x8D30];
	v4 =	vmul.f32 v5, v4  }
0x186: {  	_ = 	snop  }
0x187: {  	v4 =	vadd.f32 $1.000000000e+00, v4;
	_ =	sdelay $0x1  }
0x188: {  	v0 =	vmul.f32 v4, v0  }
0x189: {  	v40 =	vadd.s32 $0x2EE0, v1  }
0x18a: {  	v5 =	vadd.s32 $0x2328, v1;
	v3 =	vmul.f32 v0, v3  }
0x18b: {  	v0 =	vmul.f32 v0, v2  }
0x18c: {  	v41 =	vld [tilespmem:s16+$0x9D30];
	v6 =	vadd.s32 $0x3A98, v1;
	[tilespmem:s5+$0xED30] =	vst v3  }
0x18d: {  	[tilespmem:s5+$0xDD30] =	vst v0  }
0x18e: {  	v42 =	vadd.s32 $0x4650, v1;
	v3 =	vld.idx.msk [tilespmem:v40+s1+$0x0], $0xffff  }
0x18f: {  	v43 =	vld.idx.msk [tilespmem:v5+s1+$0x0], $0xffff;
	_ =	sdelay $0x1  }
0x190: {  	v44 =	vld.idx.msk [tilespmem:v6+s1+$0x0], $0xffff;
	_ =	sdelay $0x1  }
0x191: {  	v0 =	vld.idx.msk [tilespmem:v42+s1+$0x0], $0xffff  }
0x192: {  	v45 =	vmul.f32 v43, v43;
	v7 =	vmul.f32 v3, v3;
	_ =	sdelay $0x1  }
0x193: {  	v46 =	vmul.f32 v44, v44;
	v6 =	vadd.f32 v7, v45  }
0x194: {  	v8 =	vld [tilespmem:s16+$0xAD30]  }
0x195: {  	v9 =	vld [tilespmem:s16+$0xBD30];
	v47 =	vmul.f32 v0, v0;
	v6 =	vadd.f32 v46, v6  }
0x196: {  	v10 =	vld [tilespmem:s16+$0xCD30]  }
0x197: {  	v6 =	vadd.f32 v47, v6;
	_ =	sdelay $0x1  }
0x198: {  	(erf) = vrcp.f32 v6  }
0x199: {  	v48 =	vmul.f32 v44, v9;
	v49 =	vmul.f32 v44, v8  }
0x19a: {  	v11 =	vmul.f32 v3, v10;
	v12 =	vmul.f32 v43, v10  }
0x19b: {  	v13 =	vmul.f32 v3, v8  }
0x19c: {  	v50 =	vmul.f32 v43, v9;
	v7 =	vsub.f32 v49, v12;
	v6 =	vsub.f32 v11, v48  }
0x19d: {  	v51 =	vadd.s32 $0x1770, v1  }
0x19e: {  	v52 =	vmul.f32 v7, v43;
	v11 =	vsub.f32 v50, v13;
	v14 =	vmul.f32 v6, v3;
	_ =	sdelay $0x1  }
0x19f: {  	v53 =	vmul.f32 v11, v0;
	v13 =	vsub.f32 v52, v14  }
0x1a0: {  	v15 =	vpop (erf)  }
0x1a1: {  	v13 =	vadd.f32 v13, v53;
	v15 =	vadd.f32 v15, v15  }
0x1a2: {  	v12 =	vld.idx.msk [tilespmem:v51+s1+$0x0], $0xffff  }
0x1a3: {  	v13 =	vmul.f32 v13, v15;
	_ =	sdelay $0x1  }
0x1a4: {  	v10 =	vadd.f32 v13, v10  }
0x1a5: {  	v54 =	vadd.s32 $0xBB8, v1;
	v5 =	vmul.f32 v7, v44;
	v3 =	vmul.f32 v11, v3  }
0x1a6: {  	v55 =	vmul.f32 v6, v44;
	v4 =	vmul.f32 v11, v43;
	v10 =	vadd.f32 v10, v12  }
0x1a7: {  	v6 =	vmul.f32 v6, v0;
	v0 =	vmul.f32 v7, v0  }
0x1a8: {  	v3 =	vsub.f32 v3, v5;
	v4 =	vsub.f32 v55, v4;
	(erf) = vrcp.f32 v10;
	_ =	sdelay $0x1  }
0x1a9: {  	v57 =	vld.idx.msk [tilespmem:v1+s1+$0x0], $0xffff;
	v3 =	vadd.f32 v3, v6;
	v0 =	vadd.f32 v4, v0  }
0x1aa: {  	v56 =	vld.idx.msk [tilespmem:v54+s1+$0x0], $0xffff  }
0x1ab: {  	v3 =	vmul.f32 v3, v15;
	v0 =	vmul.f32 v0, v15;
	_ =	sdelay $0x1  }
0x1ac: {  	v58 =	vadd.s32 $0x1770, v41;
	v3 =	vadd.f32 v3, v8;
	v0 =	vadd.f32 v0, v9;
	_ =	sdelay $0x1  }
0x1ad: {  	v59 =	vadd.s32 $0xBB8, v41;
	v1 =	vadd.f32 v3, v57;
	v0 =	vadd.f32 v0, v56  }
0x1ae: {  	v60 =	vpop (erf)  }
0x1af: {  	v1 =	vmul.f32 v60, v1;
	v0 =	vmul.f32 v60, v0  }
0x1b0: {  	v61 =	vld.idx.msk [tilespmem:v58+s25+$0x0], $0xffff  }
0x1b1: {  	v62 =	vmul.f32 v1, v1;
	v63 =	vmul.f32 v0, v0  }
0x1b2: {  	v6 =	vld.idx.msk [tilespmem:v59+s25+$0x0], $0xffff  }
0x1b3: {  	v4 =	vadd.f32 v63, v62;
	_ =	sdelay $0x1  }
0x1b4: {  	v3 =	vmul.f32 v4, v61;
	_ =	sdelay $0x1  }
0x1b5: {  	v3 =	vadd.f32 v3, v6  }
0x1b6: {  	v2 =	vld.idx.msk [tilespmem:v41+s25+$0x0], $0xffff  }
0x1b7: {  	v3 =	vmul.f32 v3, v4;
	_ =	sdelay $0x1  }
0x1b8: {  	v3 =	vadd.f32 $1.000000000e+00, v3;
	_ =	sdelay $0x1  }
0x1b9: {  	v2 =	vmul.f32 v3, v2;
	_ =	sdelay $0x1  }
0x1ba: {  	v0 =	vmul.f32 v2, v0  }
0x1bb: {  	v1 =	vmul.f32 v2, v1  }
.Ltmp6:
0x1bc: {  	[tilespmem:s16+$0xED30] =	vst v0;
	(pc) =	sbr.rel @p0 .LBB2_11-.Ltmp6, $4  }
0x1bd: {  	[tilespmem:s16+$0xDD30] =	vst v1;
	s16 =	sadd.s32 s10, s4  }
0x1be: {  	[hbm4b:s16+s1] =	stream.linear.scatter [tilespmem:s6], [sflag:$0x8], $0x800, $0x38;
	[tilespmem:$0xF530] =	vst v63  }
0x1bf: {  	s17 =	sadd.s32 s12, s4  }
0x1c0: {  	[hbm4b:s17+s1] =	stream.linear.scatter [tilespmem:s26], [sflag:$0x8], $0x800, $0x38;
	[tilespmem:$0xF530] =	vst v63  }
.Ltmp7:
0x1c1: {  	s0 =	sadd.s32 s21, s0;
	(pc) =	sbr.rel .LBB2_2-.Ltmp7, $4  }
0x1c2: {  	s5 =	simm.s32 $0x8D30;
	s4 =	sadd.s32 s2, s0  }
0x1c3: {  	[tilespmem:s5], [sflag:$0x4] =	stream.linear.gather [hbm4b:s4+s1], $0x800, $0x38;
	[tilespmem:$0xF530] =	vst v63  }
0x1c4: {  	s17 =	simm.s32 $0x9D30;
	s31 =	sadd.s32 $0x1, s31;
	s0 =	sadd.s32 s3, s0  }
0x1c5: {  	[tilespmem:s17], [sflag:$0x4] =	stream.linear.gather [hbm4b:s0+s1], $0x800, $0x38;
	[tilespmem:$0xF530] =	vst v63  }
.LBB2_12:
0x1c6: {  	_ =	sfence.sel $0x180000  }
0x1c7: {  	[bflag:$0x0] =	sbarrier.arrive $0xFFFF  }
0x1c8: {  	_ =	strace $0x90000047  }
0x1c9: {  	s0 =	stileid.u32;
	[bflag:$0x2] =	sbarrier.arrive $0xFFFF  }
0x1ca: {  	p0 =	sne.s32 s0, $0x0;
	s0 =	rddreg [dreg:$0x2]  }
0x1cb: {  	s0 =	sadd.s32 @!p0 $0x100000, s0  }
0x1cc: {  	[sflag:s0] =	ssyncadd.tile.s32 @!p0 $0x1;
	_ =	shalt  }
.Lfunc_end2:
_tile_overlayer_lowered:
.L_overlay_start_2:
0x1cd: {  	(tag) =	ssettag $0x2  }
0x1ce: {  	s0 =	rddreg [dreg:$0x0];
	s2 =	stileid.u32  }
0x1cf: {  	s1 =	rddreg [dreg:$0x1];
	p0 =	sne.s32 s2, $0x0  }
0x1d0: {  	s3 =	rddreg [dreg:$0x2];
	[bflag:$0x3] =	sbarrier.arrive $0xFFFF;
	s2 =	simm.s32 @!p0 $0x1C09  }
0x1d1: {  	[timem:s3], [sflag:s2] =	dma.local @!p0 [hbm:s0], s1  }
0x1d2: {  	s0 =	simm.s32 @!p0 $0x9  }
0x1d3: {  	_ =	swait.ge @!p0 [sflag:s0], s1  }
0x1d4: {  	s1 =	ssub.s32 @!p0 $0x0, s1;
	[sflag:s0] =	ssyncset.done @!p0 $0x0  }
0x1d5: {  	[sflag:s0] =	ssyncadd.s32 @!p0 s1  }
0x1d6: {  	[bflag:$0x3] =	sbarrier.arrive $0xFFFF  }
0x1d7: {  	_ =	shalt  }

</sc_bundles>
